<compile_context>
chip_gen: v7x
topology: tpu7x:2x2x1
jax: 0.10.2.dev20260603
libtpu: 0.0.44.dev20260713+nightly
codegen_flags: <defaults>
</compile_context>

<pallas_src>
import dataclasses
import functools

import jax
import jax.numpy as jnp
from jax import lax
from jax.experimental import pallas as pl
from jax.experimental.pallas import tpu as pltpu
from jax.experimental.pallas import tpu_sc as plsc

B, N, S = 8, 4096, 1024
C1, C2 = 256, 512
TN = 512
NT = N // TN
NSTEPS = B * NT
NPTS = float(B * N)

NC, L = 2, 16
NW = 32
PW = (B * N) // NW
CH = 32
NCH = PW // CH

_sc_mesh = plsc.VectorSubcoreMesh(core_axis_name="c", subcore_axis_name="s")
_cp = pltpu.CompilerParams()
if "needs_layout_passes" in pltpu.CompilerParams.__dataclass_fields__:
    _cp = dataclasses.replace(_cp, needs_layout_passes=False)


def _dist_body(xyz1_ref, xyz2t_ref, gid_ref, wt_ref):
    b = pl.program_id(0)
    x1 = xyz1_ref[0]
    z2 = xyz2t_ref[0]
    s_src = (x1[0:1, :] * x1[0:1, :] + x1[1:2, :] * x1[1:2, :]
             + x1[2:3, :] * x1[2:3, :])
    d_dst = (z2[:, 0:1] * z2[:, 0:1] + z2[:, 1:2] * z2[:, 1:2]
             + z2[:, 2:3] * z2[:, 2:3])
    cross = jnp.dot(z2, x1, preferred_element_type=jnp.float32)
    dist = d_dst + s_src - 2.0 * cross

    iota = lax.broadcasted_iota(jnp.int32, (S, TN), 0)
    recips = []
    idxs = []
    for _ in range(3):
        mval = jnp.min(dist, axis=0, keepdims=True)
        eq = dist == mval
        idx = jnp.min(jnp.where(eq, iota, jnp.int32(S)), axis=0,
                      keepdims=True)
        sel = iota == idx
        recips.append(1.0 / (mval + 1e-8))
        idxs.append(idx)
        dist = jnp.where(sel, jnp.float32(jnp.inf), dist)
    norm = recips[0] + recips[1] + recips[2]
    for k in range(3):
        gid_ref[0, k:k+1, :] = idxs[k] + b * S
        wt_ref[0, k:k+1, :] = recips[k] / norm


@functools.partial(
    pl.kernel, mesh=_sc_mesh, compiler_params=_cp,
    out_type=jax.ShapeDtypeStruct((B, N, C2), jnp.float32),
    scratch_types=[
        pltpu.VMEM((3, PW), jnp.int32),
        pltpu.VMEM((3, PW), jnp.float32),
        pltpu.VMEM((CH, C2), jnp.float32), pltpu.VMEM((CH, C2), jnp.float32),
        pltpu.VMEM((CH, C2), jnp.float32), pltpu.VMEM((CH, C2), jnp.float32),
        pltpu.VMEM((CH, C2), jnp.float32), pltpu.VMEM((CH, C2), jnp.float32),
        pltpu.VMEM((CH, C2), jnp.float32),
        pltpu.SemaphoreType.DMA, pltpu.SemaphoreType.DMA,
        pltpu.SemaphoreType.DMA, pltpu.SemaphoreType.DMA,
        pltpu.SemaphoreType.DMA, pltpu.SemaphoreType.DMA,
    ])
def _sc_gather(table_hbm, gid_hbm, wt_hbm, out_hbm,
               ia, wa, ra0, ra1, ra2, rb0, rb1, rb2, ov,
               sa0, sa1, sa2, sb0, sb1, sb2):
    wid = lax.axis_index("s") * NC + lax.axis_index("c")
    b = wid // 4
    nb0 = (wid % 4) * PW

    pltpu.sync_copy(gid_hbm.at[b, :, pl.ds(nb0, PW)], ia)
    pltpu.sync_copy(wt_hbm.at[b, :, pl.ds(nb0, PW)], wa)

    def fire(g, r0, r1, r2, s0, s1, s2):
        pltpu.async_copy(table_hbm.at[ia.at[0, pl.ds(g * CH, CH)]], r0, s0)
        pltpu.async_copy(table_hbm.at[ia.at[1, pl.ds(g * CH, CH)]], r1, s1)
        pltpu.async_copy(table_hbm.at[ia.at[2, pl.ds(g * CH, CH)]], r2, s2)

    def drain(r0, r1, r2, s0, s1, s2):
        pltpu.make_async_copy(table_hbm.at[pl.ds(0, CH)], r0, s0).wait()
        pltpu.make_async_copy(table_hbm.at[pl.ds(0, CH)], r1, s1).wait()
        pltpu.make_async_copy(table_hbm.at[pl.ds(0, CH)], r2, s2).wait()

    def compute(g, r0, r1, r2):
        @pl.loop(0, CH)
        def _(i):
            p = g * CH + i
            wb0 = plsc.load_gather(
                wa, [jnp.full((L,), 0, jnp.int32), jnp.full((L,), p, jnp.int32)])
            wb1 = plsc.load_gather(
                wa, [jnp.full((L,), 1, jnp.int32), jnp.full((L,), p, jnp.int32)])
            wb2 = plsc.load_gather(
                wa, [jnp.full((L,), 2, jnp.int32), jnp.full((L,), p, jnp.int32)])

            @pl.loop(0, C2, step=L)
            def _(j):
                ov[i, pl.ds(j, L)] = (wb0 * r0[i, pl.ds(j, L)]
                                      + wb1 * r1[i, pl.ds(j, L)]
                                      + wb2 * r2[i, pl.ds(j, L)])

        pltpu.sync_copy(ov, out_hbm.at[b, pl.ds(nb0 + g * CH, CH)])

    fire(0, ra0, ra1, ra2, sa0, sa1, sa2)

    @pl.loop(0, NCH, step=2)
    def _(g):
        fire(g + 1, rb0, rb1, rb2, sb0, sb1, sb2)
        drain(ra0, ra1, ra2, sa0, sa1, sa2)
        compute(g, ra0, ra1, ra2)

        @pl.when(g + 2 < NCH)
        def _():
            fire(g + 2, ra0, ra1, ra2, sa0, sa1, sa2)

        drain(rb0, rb1, rb2, sb0, sb1, sb2)
        compute(g + 1, rb0, rb1, rb2)


def _acc_stats(step, y, acc1, acc2, sto_ref):
    @pl.when(step == 0)
    def _():
        acc1[...] = y
        acc2[...] = y * y

    @pl.when(step != 0)
    def _():
        acc1[...] += y
        acc2[...] += y * y

    @pl.when(step == NSTEPS - 1)
    def _():
        sto_ref[:, 0:1] = jnp.sum(acc1[...], axis=1, keepdims=True)
        sto_ref[:, 1:2] = jnp.sum(acc2[...], axis=1, keepdims=True)


def _l0_body(p1_ref, it_ref, w0a_ref, w0b_ref, b0_ref,
             y_ref, st_ref, acc1, acc2):
    step = pl.program_id(0) * NT + pl.program_id(1)
    y = (jnp.dot(w0a_ref[...], p1_ref[0], preferred_element_type=jnp.float32)
         + lax.dot_general(w0b_ref[...], it_ref[0],
                           (((1,), (1,)), ((), ())),
                           preferred_element_type=jnp.float32)
         + b0_ref[...])
    y_ref[0] = y
    _acc_stats(step, y, acc1, acc2, st_ref)


def _bn_relu(st_ref, g_ref, beta_ref):
    mean = st_ref[:, 0:1] * (1.0 / NPTS)
    var = st_ref[:, 1:2] * (1.0 / NPTS) - mean * mean
    a = g_ref[...] * lax.rsqrt(var + 1e-5)
    c = beta_ref[...] - a * mean
    return a, c


def _layer_body(y_ref, st_ref, g_ref, beta_ref, w_ref, b_ref,
                yo_ref, sto_ref, acc1, acc2):
    step = pl.program_id(0) * NT + pl.program_id(1)
    a, c = _bn_relu(st_ref, g_ref, beta_ref)
    x = jnp.maximum(a * y_ref[0] + c, 0.0)
    y = jnp.dot(w_ref[...], x, preferred_element_type=jnp.float32) + b_ref[...]
    yo_ref[0] = y
    _acc_stats(step, y, acc1, acc2, sto_ref)


def _final_body(y_ref, st_ref, g_ref, beta_ref, o_ref):
    a, c = _bn_relu(st_ref, g_ref, beta_ref)
    o_ref[0] = jnp.maximum(a * y_ref[0] + c, 0.0)


def _col(v):
    return v.reshape(-1, 1)


def kernel(xyz1, xyz2, points1, points2, W0, b0, g0, beta0,
           W1, b1, g1, beta1, W2, b2, g2, beta2):
    xyz2t = jnp.transpose(xyz2, (0, 2, 1))
    p2flat = jnp.transpose(points2, (0, 2, 1)).reshape(B * S, C2)
    w0a, w0b = W0[:, :C1], W0[:, C1:]

    full = lambda shp: pl.BlockSpec(shp, lambda b, n: (0, 0))
    tile = lambda c: pl.BlockSpec((1, c, TN), lambda b, n: (b, 0, n))
    perb = lambda r, c: pl.BlockSpec((1, r, c), lambda b, n: (b, 0, 0))

    gid, wt = pl.pallas_call(
        _dist_body,
        grid=(B, NT),
        in_specs=[tile(3), perb(S, 3)],
        out_specs=[tile(3), tile(3)],
        out_shape=[jax.ShapeDtypeStruct((B, 3, N), jnp.int32),
                   jax.ShapeDtypeStruct((B, 3, N), jnp.float32)],
    )(xyz1, xyz2t)

    interp = _sc_gather(p2flat, gid, wt)

    y0, st0 = pl.pallas_call(
        _l0_body,
        grid=(B, NT),
        in_specs=[tile(C1), pl.BlockSpec((1, TN, C2), lambda b, n: (b, n, 0)),
                  full((512, C1)), full((512, C2)), full((512, 1))],
        out_specs=[tile(512), full((512, 2))],
        out_shape=[jax.ShapeDtypeStruct((B, 512, N), jnp.float32),
                   jax.ShapeDtypeStruct((512, 2), jnp.float32)],
        scratch_shapes=[pltpu.VMEM((512, TN), jnp.float32),
                        pltpu.VMEM((512, TN), jnp.float32)],
    )(points1, interp, w0a, w0b, _col(b0))

    def layer(y, st, g, beta, W, bias, c_in, c_out):
        return pl.pallas_call(
            _layer_body,
            grid=(B, NT),
            in_specs=[tile(c_in), full((c_in, 2)), full((c_in, 1)),
                      full((c_in, 1)), full((c_out, c_in)), full((c_out, 1))],
            out_specs=[tile(c_out), full((c_out, 2))],
            out_shape=[jax.ShapeDtypeStruct((B, c_out, N), jnp.float32),
                       jax.ShapeDtypeStruct((c_out, 2), jnp.float32)],
            scratch_shapes=[pltpu.VMEM((c_out, TN), jnp.float32),
                            pltpu.VMEM((c_out, TN), jnp.float32)],
        )(y, st, _col(g), _col(beta), W, _col(bias))

    y1, st1 = layer(y0, st0, g0, beta0, W1, b1, 512, 512)
    y2, st2 = layer(y1, st1, g1, beta1, W2, b2, 512, 256)

    out = pl.pallas_call(
        _final_body,
        grid=(B, NT),
        in_specs=[tile(256), full((256, 2)), full((256, 1)), full((256, 1))],
        out_specs=tile(256),
        out_shape=jax.ShapeDtypeStruct((B, 256, N), jnp.float32),
    )(y2, st2, _col(g2), _col(beta2))
    return out

# --- scband reference (transcript-rebuilt; emitter-appended) ---
"""Pipeline reference for scband-point-net-feature-propagation-31576599560323 (READ-ONLY COPY).

The authoritative reference and input builder live on the scoring server;
editing this copy changes nothing except your own understanding.
"""

import jax, jax.numpy as jnp
import numpy as np

B, N, S = 8, 4096, 1024
C1, C2 = 256, 512
MLP = [512, 512, 256]
IN_CH = C1 + C2


def setup_inputs(seed: int = 0) -> dict:
    key = jax.random.key(seed)
    ks = jax.random.split(key, 16)
    inp = {
        "xyz1": jax.random.normal(ks[0], (B, 3, N), dtype=jnp.float32),
        "xyz2": jax.random.normal(ks[1], (B, 3, S), dtype=jnp.float32),
        "points1": jax.random.normal(ks[2], (B, C1, N), dtype=jnp.float32),
        "points2": jax.random.normal(ks[3], (B, C2, S), dtype=jnp.float32),
    }
    last = IN_CH
    for i, oc in enumerate(MLP):
        inp[f"W{i}"] = jax.random.normal(ks[4 + i], (oc, last), dtype=jnp.float32) * (1.0 / np.sqrt(last))
        inp[f"b{i}"] = jnp.zeros((oc,), dtype=jnp.float32)
        inp[f"g{i}"] = jnp.ones((oc,), dtype=jnp.float32)
        inp[f"beta{i}"] = jnp.zeros((oc,), dtype=jnp.float32)
        last = oc
    return inp


def reference(xyz1, xyz2, points1, points2,
              W0, b0, g0, beta0,
              W1, b1, g1, beta1,
              W2, b2, g2, beta2):
    # --- 3-NN inverse-distance interpolation (S > 1 branch) ---
    src = jnp.transpose(xyz1, (0, 2, 1))  # [B, N, 3]
    dst = jnp.transpose(xyz2, (0, 2, 1))  # [B, S, 3]
    dists = (jnp.sum(src ** 2, axis=-1)[:, :, None]
             + jnp.sum(dst ** 2, axis=-1)[:, None, :]
             - 2.0 * jnp.einsum('bnd,bsd->bns', src, dst))  # [B, N, S]
    neg_top, idx = jax.lax.top_k(-dists, 3)  # smallest 3 distances
    d3 = -neg_top  # [B, N, 3] ascending
    dist_recip = 1.0 / (d3 + 1e-8)
    norm = jnp.sum(dist_recip, axis=2, keepdims=True)
    weight = dist_recip / norm  # [B, N, 3]
    pts2 = jnp.transpose(points2, (0, 2, 1))  # [B, S, C2]
    gathered = jax.vmap(lambda p, i: p[i])(pts2, idx)  # [B, N, 3, C2]
    interpolated = jnp.sum(gathered * weight[..., None], axis=2)  # [B, N, C2]
    interpolated_points = jnp.transpose(interpolated, (0, 2, 1))  # [B, C2, N]
    new_points = jnp.concatenate([points1, interpolated_points], axis=1)  # [B, C1+C2, N]
    # --- shared MLP: Conv1d(k=1) + BatchNorm1d (training-mode batch stats) + ReLU ---
    params = [(W0, b0, g0, beta0), (W1, b1, g1, beta1), (W2, b2, g2, beta2)]
    x = new_points
    for W, b, g, be in params:
        y = jnp.einsum('oc,bcn->bon', W, x) + b[None, :, None]
        mean = jnp.mean(y, axis=(0, 2), keepdims=True)
        var = jnp.var(y, axis=(0, 2), keepdims=True)
        yhat = (y - mean) / jnp.sqrt(var + 1e-5)
        x = jax.nn.relu(g[None, :, None] * yhat + be[None, :, None])
    return x

if __name__ == "__main__":
    import jax
    _d = setup_inputs()
    print(jax.jit(kernel)(*tuple(_d.values())))

</pallas_src>

<mosaic_0001>
#map = affine_map<(d0, d1) -> (0, 0)>
#map1 = affine_map<(d0, d1) -> (0, 0, 0)>
module attributes {stable_mosaic.version = 14 : i64} {
  func.func @_sc_gather(%arg0: i32, %arg1: i32, %arg2: memref<8192x512xf32, #tpu.memory_space<hbm>>, %arg3: memref<8x3x4096xi32, #tpu.memory_space<hbm>>, %arg4: memref<8x3x4096xf32, #tpu.memory_space<hbm>>, %arg5: memref<8x4096x512xf32, #tpu.memory_space<hbm>>, %arg6: memref<3x1024xi32, #tpu.memory_space<vmem>>, %arg7: memref<3x1024xf32, #tpu.memory_space<vmem>>, %arg8: memref<32x512xf32, #tpu.memory_space<vmem>>, %arg9: memref<32x512xf32, #tpu.memory_space<vmem>>, %arg10: memref<32x512xf32, #tpu.memory_space<vmem>>, %arg11: memref<32x512xf32, #tpu.memory_space<vmem>>, %arg12: memref<32x512xf32, #tpu.memory_space<vmem>>, %arg13: memref<32x512xf32, #tpu.memory_space<vmem>>, %arg14: memref<32x512xf32, #tpu.memory_space<vmem>>, %arg15: memref<!tpu.dma_semaphore, #tpu.memory_space<semaphore_mem>>, %arg16: memref<!tpu.dma_semaphore, #tpu.memory_space<semaphore_mem>>, %arg17: memref<!tpu.dma_semaphore, #tpu.memory_space<semaphore_mem>>, %arg18: memref<!tpu.dma_semaphore, #tpu.memory_space<semaphore_mem>>, %arg19: memref<!tpu.dma_semaphore, #tpu.memory_space<semaphore_mem>>, %arg20: memref<!tpu.dma_semaphore, #tpu.memory_space<semaphore_mem>>) attributes {dimension_semantics = [#tpu.dimension_semantics<core_parallel>, #tpu.dimension_semantics<subcore_parallel>], iteration_bounds = array<i64: 2, 16>, scalar_prefetch = 0 : i64, scratch_operands = 15 : i64, tpu.core_type = #tpu.core_type<sc_vector_subcore>, window_params = [{transform_indices = #map}, {transform_indices = #map1}, {transform_indices = #map1}, {transform_indices = #map1}]} {
    %mul3A = arith.constant 2 : i32
    %mul3A_0 = arith.muli %arg1, %mul3A : i32
    %add3A = arith.addi %mul3A_0, %arg0 : i32
    %jit3A = arith.constant 4 : i32
    %div3A = arith.divsi %add3A, %jit3A : i32
    %sign3A = arith.constant 0 : i32
    %sign3A_1 = arith.cmpi sgt, %add3A, %sign3A : i32
    %sign3A_2 = arith.extui %sign3A_1 : i1 to i32
    %sign3A_3 = arith.constant 0 : i32
    %sign3A_4 = arith.cmpi slt, %add3A, %sign3A_3 : i32
    %sign3A_5 = arith.extui %sign3A_4 : i1 to i32
    %sign3A_6 = arith.subi %sign3A_2, %sign3A_5 : i32
    %sign3A_7 = arith.constant 0 : i32
    %sign3A_8 = arith.cmpi sgt, %jit3A, %sign3A_7 : i32
    %sign3A_9 = arith.extui %sign3A_8 : i1 to i32
    %sign3A_10 = arith.constant 0 : i32
    %sign3A_11 = arith.cmpi slt, %jit3A, %sign3A_10 : i32
    %sign3A_12 = arith.extui %sign3A_11 : i1 to i32
    %sign3A_13 = arith.subi %sign3A_9, %sign3A_12 : i32
    %ne3A = arith.cmpi ne, %sign3A_6, %sign3A_13 : i32
    %rem3A = arith.remsi %add3A, %jit3A : i32
    %ne3A_14 = arith.constant 0 : i32
    %ne3A_15 = arith.cmpi ne, %rem3A, %ne3A_14 : i32
    %and3A = arith.andi %ne3A, %ne3A_15 : i1
    %sub3A = arith.constant 1 : i32
    %sub3A_16 = arith.subi %div3A, %sub3A : i32
    %select_n3A = arith.select %and3A, %sub3A_16, %div3A : i32
    %jit3A_17 = arith.constant 4 : i32
    %eq3A = arith.constant 0 : i32
    %eq3A_18 = arith.cmpi eq, %jit3A_17, %eq3A : i32
    %jit3A_19 = arith.constant 1 : i32
    %select_n3A_20 = arith.select %eq3A_18, %jit3A_19, %jit3A_17 : i32
    %rem3A_21 = arith.remsi %add3A, %select_n3A_20 : i32
    %ne3A_22 = arith.constant 0 : i32
    %ne3A_23 = arith.cmpi ne, %rem3A_21, %ne3A_22 : i32
    %lt3A = arith.constant 0 : i32
    %lt3A_24 = arith.cmpi slt, %rem3A_21, %lt3A : i32
    %lt3A_25 = arith.constant 0 : i32
    %lt3A_26 = arith.cmpi slt, %select_n3A_20, %lt3A_25 : i32
    %ne3A_27 = arith.xori %lt3A_24, %lt3A_26 : i1
    %and3A_28 = arith.andi %ne3A_27, %ne3A_23 : i1
    %add3A_29 = arith.addi %rem3A_21, %select_n3A_20 : i32
    %select_n3A_30 = arith.select %and3A_28, %add3A_29, %rem3A_21 : i32
    %mul3A_31 = arith.constant 1024 : i32
    %mul3A_32 = arith.muli %select_n3A_30, %mul3A_31 : i32
    "tpu.region"() ({
      %run_scoped3A = tpu.sem_alloc : memref<!tpu.dma_semaphore, #tpu.memory_space<semaphore_mem>>
      %dma_start3A_57 = arith.constant 0 : i32
      %dma_start3A_58 = tpu.memref_slice %arg3[%select_n3A, %dma_start3A_57, %mul3A_32] : memref<8x3x4096xi32, #tpu.memory_space<hbm>> -> memref<1x3x1024xi32, #tpu.memory_space<hbm>>
      %dma_start3A_59 = tpu.memref_squeeze %dma_start3A_58 : memref<1x3x1024xi32, #tpu.memory_space<hbm>> -> memref<3x1024xi32, #tpu.memory_space<hbm>>
      %dma_start3A_60 = arith.constant 0 : i32
      %dma_start3A_61 = tpu.memref_slice %arg3[%select_n3A, %dma_start3A_60, %mul3A_32] : memref<8x3x4096xi32, #tpu.memory_space<hbm>> -> memref<1x3x1024xi32, #tpu.memory_space<hbm>>
      %dma_start3A_62 = tpu.memref_squeeze %dma_start3A_61 : memref<1x3x1024xi32, #tpu.memory_space<hbm>> -> memref<3x1024xi32, #tpu.memory_space<hbm>>
      tpu.enqueue_dma source(%dma_start3A_62 : memref<3x1024xi32, #tpu.memory_space<hbm>>) target(%arg6 : memref<3x1024xi32, #tpu.memory_space<vmem>>) target_semaphore(%run_scoped3A : memref<!tpu.dma_semaphore, #tpu.memory_space<semaphore_mem>>)
      %dma_wait3A = arith.constant 0 : i32
      %dma_wait3A_63 = tpu.memref_slice %arg3[%select_n3A, %dma_wait3A, %mul3A_32] : memref<8x3x4096xi32, #tpu.memory_space<hbm>> -> memref<1x3x1024xi32, #tpu.memory_space<hbm>>
      %dma_wait3A_64 = tpu.memref_squeeze %dma_wait3A_63 : memref<1x3x1024xi32, #tpu.memory_space<hbm>> -> memref<3x1024xi32, #tpu.memory_space<hbm>>
      %dma_wait3A_65 = arith.constant 0 : i32
      %dma_wait3A_66 = tpu.memref_slice %arg3[%select_n3A, %dma_wait3A_65, %mul3A_32] : memref<8x3x4096xi32, #tpu.memory_space<hbm>> -> memref<1x3x1024xi32, #tpu.memory_space<hbm>>
      %dma_wait3A_67 = tpu.memref_squeeze %dma_wait3A_66 : memref<1x3x1024xi32, #tpu.memory_space<hbm>> -> memref<3x1024xi32, #tpu.memory_space<hbm>>
      tpu.wait_dma2 semaphore(%run_scoped3A : memref<!tpu.dma_semaphore, #tpu.memory_space<semaphore_mem>>) src(%dma_wait3A_67 : memref<3x1024xi32, #tpu.memory_space<hbm>>) dst(%arg6 : memref<3x1024xi32, #tpu.memory_space<vmem>>)
      tpu.yield
    }) : () -> ()
    "tpu.region"() ({
      %run_scoped3A = tpu.sem_alloc : memref<!tpu.dma_semaphore, #tpu.memory_space<semaphore_mem>>
      %dma_start3A_57 = arith.constant 0 : i32
      %dma_start3A_58 = tpu.memref_slice %arg4[%select_n3A, %dma_start3A_57, %mul3A_32] : memref<8x3x4096xf32, #tpu.memory_space<hbm>> -> memref<1x3x1024xf32, #tpu.memory_space<hbm>>
      %dma_start3A_59 = tpu.memref_squeeze %dma_start3A_58 : memref<1x3x1024xf32, #tpu.memory_space<hbm>> -> memref<3x1024xf32, #tpu.memory_space<hbm>>
      %dma_start3A_60 = arith.constant 0 : i32
      %dma_start3A_61 = tpu.memref_slice %arg4[%select_n3A, %dma_start3A_60, %mul3A_32] : memref<8x3x4096xf32, #tpu.memory_space<hbm>> -> memref<1x3x1024xf32, #tpu.memory_space<hbm>>
      %dma_start3A_62 = tpu.memref_squeeze %dma_start3A_61 : memref<1x3x1024xf32, #tpu.memory_space<hbm>> -> memref<3x1024xf32, #tpu.memory_space<hbm>>
      tpu.enqueue_dma source(%dma_start3A_62 : memref<3x1024xf32, #tpu.memory_space<hbm>>) target(%arg7 : memref<3x1024xf32, #tpu.memory_space<vmem>>) target_semaphore(%run_scoped3A : memref<!tpu.dma_semaphore, #tpu.memory_space<semaphore_mem>>)
      %dma_wait3A = arith.constant 0 : i32
      %dma_wait3A_63 = tpu.memref_slice %arg4[%select_n3A, %dma_wait3A, %mul3A_32] : memref<8x3x4096xf32, #tpu.memory_space<hbm>> -> memref<1x3x1024xf32, #tpu.memory_space<hbm>>
      %dma_wait3A_64 = tpu.memref_squeeze %dma_wait3A_63 : memref<1x3x1024xf32, #tpu.memory_space<hbm>> -> memref<3x1024xf32, #tpu.memory_space<hbm>>
      %dma_wait3A_65 = arith.constant 0 : i32
      %dma_wait3A_66 = tpu.memref_slice %arg4[%select_n3A, %dma_wait3A_65, %mul3A_32] : memref<8x3x4096xf32, #tpu.memory_space<hbm>> -> memref<1x3x1024xf32, #tpu.memory_space<hbm>>
      %dma_wait3A_67 = tpu.memref_squeeze %dma_wait3A_66 : memref<1x3x1024xf32, #tpu.memory_space<hbm>> -> memref<3x1024xf32, #tpu.memory_space<hbm>>
      tpu.wait_dma2 semaphore(%run_scoped3A : memref<!tpu.dma_semaphore, #tpu.memory_space<semaphore_mem>>) src(%dma_wait3A_67 : memref<3x1024xf32, #tpu.memory_space<hbm>>) dst(%arg7 : memref<3x1024xf32, #tpu.memory_space<vmem>>)
      tpu.yield
    }) : () -> ()
    %dma_start3A = arith.constant 0 : i32
    %dma_start3A_33 = arith.constant 0 : i32
    %dma_start3A_34 = tpu.memref_slice %arg6[%dma_start3A, %dma_start3A_33] : memref<3x1024xi32, #tpu.memory_space<vmem>> -> memref<1x32xi32, #tpu.memory_space<vmem>>
    %dma_start3A_35 = tpu.memref_squeeze %dma_start3A_34 : memref<1x32xi32, #tpu.memory_space<vmem>> -> memref<32xi32, #tpu.memory_space<vmem>>
    %dma_start3A_36 = arith.constant 0 : i32
    %dma_start3A_37 = arith.constant 0 : i32
    %dma_start3A_38 = tpu.memref_slice %arg2[%dma_start3A_36, %dma_start3A_37] : memref<8192x512xf32, #tpu.memory_space<hbm>> -> memref<8192x512xf32, #tpu.memory_space<hbm>>
    tpu.enqueue_indirect_dma source(%dma_start3A_38 : memref<8192x512xf32, #tpu.memory_space<hbm>>) target(%arg8 : memref<32x512xf32, #tpu.memory_space<vmem>>) offsets(%dma_start3A_35 : memref<32xi32, #tpu.memory_space<vmem>>) semaphore(%arg15 : memref<!tpu.dma_semaphore, #tpu.memory_space<semaphore_mem>>)
    %dma_start3A_39 = arith.constant 1 : i32
    %dma_start3A_40 = arith.constant 0 : i32
    %dma_start3A_41 = tpu.memref_slice %arg6[%dma_start3A_39, %dma_start3A_40] : memref<3x1024xi32, #tpu.memory_space<vmem>> -> memref<1x32xi32, #tpu.memory_space<vmem>>
    %dma_start3A_42 = tpu.memref_squeeze %dma_start3A_41 : memref<1x32xi32, #tpu.memory_space<vmem>> -> memref<32xi32, #tpu.memory_space<vmem>>
    %dma_start3A_43 = arith.constant 0 : i32
    %dma_start3A_44 = arith.constant 0 : i32
    %dma_start3A_45 = tpu.memref_slice %arg2[%dma_start3A_43, %dma_start3A_44] : memref<8192x512xf32, #tpu.memory_space<hbm>> -> memref<8192x512xf32, #tpu.memory_space<hbm>>
    tpu.enqueue_indirect_dma source(%dma_start3A_45 : memref<8192x512xf32, #tpu.memory_space<hbm>>) target(%arg9 : memref<32x512xf32, #tpu.memory_space<vmem>>) offsets(%dma_start3A_42 : memref<32xi32, #tpu.memory_space<vmem>>) semaphore(%arg16 : memref<!tpu.dma_semaphore, #tpu.memory_space<semaphore_mem>>)
    %dma_start3A_46 = arith.constant 2 : i32
    %dma_start3A_47 = arith.constant 0 : i32
    %dma_start3A_48 = tpu.memref_slice %arg6[%dma_start3A_46, %dma_start3A_47] : memref<3x1024xi32, #tpu.memory_space<vmem>> -> memref<1x32xi32, #tpu.memory_space<vmem>>
    %dma_start3A_49 = tpu.memref_squeeze %dma_start3A_48 : memref<1x32xi32, #tpu.memory_space<vmem>> -> memref<32xi32, #tpu.memory_space<vmem>>
    %dma_start3A_50 = arith.constant 0 : i32
    %dma_start3A_51 = arith.constant 0 : i32
    %dma_start3A_52 = tpu.memref_slice %arg2[%dma_start3A_50, %dma_start3A_51] : memref<8192x512xf32, #tpu.memory_space<hbm>> -> memref<8192x512xf32, #tpu.memory_space<hbm>>
    tpu.enqueue_indirect_dma source(%dma_start3A_52 : memref<8192x512xf32, #tpu.memory_space<hbm>>) target(%arg10 : memref<32x512xf32, #tpu.memory_space<vmem>>) offsets(%dma_start3A_49 : memref<32xi32, #tpu.memory_space<vmem>>) semaphore(%arg17 : memref<!tpu.dma_semaphore, #tpu.memory_space<semaphore_mem>>)
    %scan3A = arith.constant 0 : i32
    %scan3A_53 = arith.constant 16 : i32
    %scan3A_54 = arith.addi %scan3A, %scan3A_53 : i32
    %scan3A_55 = arith.constant 1 : i32
    scf.for %scan3A_57 = %scan3A to %scan3A_54 step %scan3A_55  : i32 {
      %mul3A_58 = arith.constant 2 : i32
      %mul3A_59 = arith.muli %scan3A_57, %mul3A_58 : i32
      %add3A_60 = arith.constant 0 : i32
      %add3A_61 = arith.addi %add3A_60, %mul3A_59 : i32
      %add3A_62 = arith.constant 1 : i32
      %add3A_63 = arith.addi %add3A_61, %add3A_62 : i32
      %mul3A_64 = arith.constant 32 : i32
      %mul3A_65 = arith.muli %add3A_63, %mul3A_64 : i32
      %dma_start3A_66 = arith.constant 0 : i32
      %dma_start3A_67 = tpu.memref_slice %arg6[%dma_start3A_66, %mul3A_65] : memref<3x1024xi32, #tpu.memory_space<vmem>> -> memref<1x32xi32, #tpu.memory_space<vmem>>
      %dma_start3A_68 = tpu.memref_squeeze %dma_start3A_67 : memref<1x32xi32, #tpu.memory_space<vmem>> -> memref<32xi32, #tpu.memory_space<vmem>>
      %dma_start3A_69 = arith.constant 0 : i32
      %dma_start3A_70 = arith.constant 0 : i32
      %dma_start3A_71 = tpu.memref_slice %arg2[%dma_start3A_69, %dma_start3A_70] : memref<8192x512xf32, #tpu.memory_space<hbm>> -> memref<8192x512xf32, #tpu.memory_space<hbm>>
      tpu.enqueue_indirect_dma source(%dma_start3A_71 : memref<8192x512xf32, #tpu.memory_space<hbm>>) target(%arg11 : memref<32x512xf32, #tpu.memory_space<vmem>>) offsets(%dma_start3A_68 : memref<32xi32, #tpu.memory_space<vmem>>) semaphore(%arg18 : memref<!tpu.dma_semaphore, #tpu.memory_space<semaphore_mem>>)
      %mul3A_72 = arith.constant 32 : i32
      %mul3A_73 = arith.muli %add3A_63, %mul3A_72 : i32
      %dma_start3A_74 = arith.constant 1 : i32
      %dma_start3A_75 = tpu.memref_slice %arg6[%dma_start3A_74, %mul3A_73] : memref<3x1024xi32, #tpu.memory_space<vmem>> -> memref<1x32xi32, #tpu.memory_space<vmem>>
      %dma_start3A_76 = tpu.memref_squeeze %dma_start3A_75 : memref<1x32xi32, #tpu.memory_space<vmem>> -> memref<32xi32, #tpu.memory_space<vmem>>
      %dma_start3A_77 = arith.constant 0 : i32
      %dma_start3A_78 = arith.constant 0 : i32
      %dma_start3A_79 = tpu.memref_slice %arg2[%dma_start3A_77, %dma_start3A_78] : memref<8192x512xf32, #tpu.memory_space<hbm>> -> memref<8192x512xf32, #tpu.memory_space<hbm>>
      tpu.enqueue_indirect_dma source(%dma_start3A_79 : memref<8192x512xf32, #tpu.memory_space<hbm>>) target(%arg12 : memref<32x512xf32, #tpu.memory_space<vmem>>) offsets(%dma_start3A_76 : memref<32xi32, #tpu.memory_space<vmem>>) semaphore(%arg19 : memref<!tpu.dma_semaphore, #tpu.memory_space<semaphore_mem>>)
      %mul3A_80 = arith.constant 32 : i32
      %mul3A_81 = arith.muli %add3A_63, %mul3A_80 : i32
      %dma_start3A_82 = arith.constant 2 : i32
      %dma_start3A_83 = tpu.memref_slice %arg6[%dma_start3A_82, %mul3A_81] : memref<3x1024xi32, #tpu.memory_space<vmem>> -> memref<1x32xi32, #tpu.memory_space<vmem>>
      %dma_start3A_84 = tpu.memref_squeeze %dma_start3A_83 : memref<1x32xi32, #tpu.memory_space<vmem>> -> memref<32xi32, #tpu.memory_space<vmem>>
      %dma_start3A_85 = arith.constant 0 : i32
      %dma_start3A_86 = arith.constant 0 : i32
      %dma_start3A_87 = tpu.memref_slice %arg2[%dma_start3A_85, %dma_start3A_86] : memref<8192x512xf32, #tpu.memory_space<hbm>> -> memref<8192x512xf32, #tpu.memory_space<hbm>>
      tpu.enqueue_indirect_dma source(%dma_start3A_87 : memref<8192x512xf32, #tpu.memory_space<hbm>>) target(%arg13 : memref<32x512xf32, #tpu.memory_space<vmem>>) offsets(%dma_start3A_84 : memref<32xi32, #tpu.memory_space<vmem>>) semaphore(%arg20 : memref<!tpu.dma_semaphore, #tpu.memory_space<semaphore_mem>>)
      %dma_wait3A = arith.constant 0 : i32
      %dma_wait3A_88 = arith.constant 0 : i32
      %dma_wait3A_89 = tpu.memref_slice %arg2[%dma_wait3A, %dma_wait3A_88] : memref<8192x512xf32, #tpu.memory_space<hbm>> -> memref<32x512xf32, #tpu.memory_space<hbm>>
      %dma_wait3A_90 = arith.constant 0 : i32
      %dma_wait3A_91 = arith.constant 0 : i32
      %dma_wait3A_92 = tpu.memref_slice %arg2[%dma_wait3A_90, %dma_wait3A_91] : memref<8192x512xf32, #tpu.memory_space<hbm>> -> memref<32x512xf32, #tpu.memory_space<hbm>>
      tpu.wait_dma2 semaphore(%arg15 : memref<!tpu.dma_semaphore, #tpu.memory_space<semaphore_mem>>) src(%dma_wait3A_92 : memref<32x512xf32, #tpu.memory_space<hbm>>) dst(%arg8 : memref<32x512xf32, #tpu.memory_space<vmem>>)
      %dma_wait3A_93 = arith.constant 0 : i32
      %dma_wait3A_94 = arith.constant 0 : i32
      %dma_wait3A_95 = tpu.memref_slice %arg2[%dma_wait3A_93, %dma_wait3A_94] : memref<8192x512xf32, #tpu.memory_space<hbm>> -> memref<32x512xf32, #tpu.memory_space<hbm>>
      %dma_wait3A_96 = arith.constant 0 : i32
      %dma_wait3A_97 = arith.constant 0 : i32
      %dma_wait3A_98 = tpu.memref_slice %arg2[%dma_wait3A_96, %dma_wait3A_97] : memref<8192x512xf32, #tpu.memory_space<hbm>> -> memref<32x512xf32, #tpu.memory_space<hbm>>
      tpu.wait_dma2 semaphore(%arg16 : memref<!tpu.dma_semaphore, #tpu.memory_space<semaphore_mem>>) src(%dma_wait3A_98 : memref<32x512xf32, #tpu.memory_space<hbm>>) dst(%arg9 : memref<32x512xf32, #tpu.memory_space<vmem>>)
      %dma_wait3A_99 = arith.constant 0 : i32
      %dma_wait3A_100 = arith.constant 0 : i32
      %dma_wait3A_101 = tpu.memref_slice %arg2[%dma_wait3A_99, %dma_wait3A_100] : memref<8192x512xf32, #tpu.memory_space<hbm>> -> memref<32x512xf32, #tpu.memory_space<hbm>>
      %dma_wait3A_102 = arith.constant 0 : i32
      %dma_wait3A_103 = arith.constant 0 : i32
      %dma_wait3A_104 = tpu.memref_slice %arg2[%dma_wait3A_102, %dma_wait3A_103] : memref<8192x512xf32, #tpu.memory_space<hbm>> -> memref<32x512xf32, #tpu.memory_space<hbm>>
      tpu.wait_dma2 semaphore(%arg17 : memref<!tpu.dma_semaphore, #tpu.memory_space<semaphore_mem>>) src(%dma_wait3A_104 : memref<32x512xf32, #tpu.memory_space<hbm>>) dst(%arg10 : memref<32x512xf32, #tpu.memory_space<vmem>>)
      %scan3A_105 = arith.constant 0 : i32
      %scan3A_106 = arith.constant 32 : i32
      %scan3A_107 = arith.addi %scan3A_105, %scan3A_106 : i32
      %scan3A_108 = arith.constant 1 : i32
      scf.for %scan3A_146 = %scan3A_105 to %scan3A_107 step %scan3A_108  : i32 {
        %mul3A_147 = arith.constant 1 : i32
        %mul3A_148 = arith.muli %scan3A_146, %mul3A_147 : i32
        %add3A_149 = arith.constant 0 : i32
        %add3A_150 = arith.addi %add3A_149, %mul3A_148 : i32
        %mul3A_151 = arith.constant 32 : i32
        %mul3A_152 = arith.muli %add3A_61, %mul3A_151 : i32
        %add3A_153 = arith.addi %mul3A_152, %add3A_150 : i32
        %broadcast_in_dim3A = arith.constant 0 : i32
        %broadcast_in_dim3A_154 = vector.broadcast %broadcast_in_dim3A : i32 to vector<16xi32>
        %broadcast_in_dim3A_155 = vector.broadcast %add3A_153 : i32 to vector<16xi32>
        %gather3A = tpu.vector_load_idx %arg7[%broadcast_in_dim3A_154, %broadcast_in_dim3A_155] : memref<3x1024xf32, #tpu.memory_space<vmem>>[vector<16xi32>, vector<16xi32>], vector<16xf32>,
        %broadcast_in_dim3A_156 = arith.constant 1 : i32
        %broadcast_in_dim3A_157 = vector.broadcast %broadcast_in_dim3A_156 : i32 to vector<16xi32>
        %broadcast_in_dim3A_158 = vector.broadcast %add3A_153 : i32 to vector<16xi32>
        %gather3A_159 = tpu.vector_load_idx %arg7[%broadcast_in_dim3A_157, %broadcast_in_dim3A_158] : memref<3x1024xf32, #tpu.memory_space<vmem>>[vector<16xi32>, vector<16xi32>], vector<16xf32>,
        %broadcast_in_dim3A_160 = arith.constant 2 : i32
        %broadcast_in_dim3A_161 = vector.broadcast %broadcast_in_dim3A_160 : i32 to vector<16xi32>
        %broadcast_in_dim3A_162 = vector.broadcast %add3A_153 : i32 to vector<16xi32>
        %gather3A_163 = tpu.vector_load_idx %arg7[%broadcast_in_dim3A_161, %broadcast_in_dim3A_162] : memref<3x1024xf32, #tpu.memory_space<vmem>>[vector<16xi32>, vector<16xi32>], vector<16xf32>,
        %scan3A_164 = arith.constant 0 : i32
        %scan3A_165 = arith.constant 32 : i32
        %scan3A_166 = arith.addi %scan3A_164, %scan3A_165 : i32
        %scan3A_167 = arith.constant 1 : i32
        scf.for %scan3A_169 = %scan3A_164 to %scan3A_166 step %scan3A_167  : i32 {
          %mul3A_170 = arith.constant 16 : i32
          %mul3A_171 = arith.muli %scan3A_169, %mul3A_170 : i32
          %add3A_172 = arith.constant 0 : i32
          %add3A_173 = arith.addi %add3A_172, %mul3A_171 : i32
          %get3A = arith.index_cast %add3A_150 : i32 to index
          %get3A_174 = arith.index_cast %add3A_173 : i32 to index
          %get3A_175 = tpu.vector_load %arg8[%get3A, %get3A_174] {strides = array<i32>} : memref<32x512xf32, #tpu.memory_space<vmem>>, vector<16xf32>,
          %mul3A_176 = arith.mulf %gather3A, %get3A_175 : vector<16xf32>
          %get3A_177 = arith.index_cast %add3A_150 : i32 to index
          %get3A_178 = arith.index_cast %add3A_173 : i32 to index
          %get3A_179 = tpu.vector_load %arg9[%get3A_177, %get3A_178] {strides = array<i32>} : memref<32x512xf32, #tpu.memory_space<vmem>>, vector<16xf32>,
          %mul3A_180 = arith.mulf %gather3A_159, %get3A_179 : vector<16xf32>
          %add3A_181 = arith.addf %mul3A_176, %mul3A_180 : vector<16xf32>
          %get3A_182 = arith.index_cast %add3A_150 : i32 to index
          %get3A_183 = arith.index_cast %add3A_173 : i32 to index
          %get3A_184 = tpu.vector_load %arg10[%get3A_182, %get3A_183] {strides = array<i32>} : memref<32x512xf32, #tpu.memory_space<vmem>>, vector<16xf32>,
          %mul3A_185 = arith.mulf %gather3A_163, %get3A_184 : vector<16xf32>
          %add3A_186 = arith.addf %add3A_181, %mul3A_185 : vector<16xf32>
          %swap3A = arith.index_cast %add3A_150 : i32 to index
          %swap3A_187 = arith.index_cast %add3A_173 : i32 to index
          %swap3A_188 = tpu.vector_load %arg14[%swap3A, %swap3A_187] {strides = array<i32>} : memref<32x512xf32, #tpu.memory_space<vmem>>, vector<16xf32>,
          tpu.vector_store %arg14[%swap3A, %swap3A_187], %add3A_186 {strides = array<i32>} : memref<32x512xf32, #tpu.memory_space<vmem>>, vector<16xf32>,
        }
        %scan3A_168 = arith.constant 32 : i32
      }
      %scan3A_109 = arith.constant 32 : i32
      %mul3A_110 = arith.constant 32 : i32
      %mul3A_111 = arith.muli %add3A_61, %mul3A_110 : i32
      %add3A_112 = arith.addi %mul3A_32, %mul3A_111 : i32
      "tpu.region"() ({
        %run_scoped3A = tpu.sem_alloc : memref<!tpu.dma_semaphore, #tpu.memory_space<semaphore_mem>>
        %dma_start3A_146 = arith.constant 0 : i32
        %dma_start3A_147 = tpu.memref_slice %arg5[%select_n3A, %add3A_112, %dma_start3A_146] : memref<8x4096x512xf32, #tpu.memory_space<hbm>> -> memref<1x32x512xf32, #tpu.memory_space<hbm>>
        %dma_start3A_148 = tpu.memref_squeeze %dma_start3A_147 : memref<1x32x512xf32, #tpu.memory_space<hbm>> -> memref<32x512xf32, #tpu.memory_space<hbm>>
        %dma_start3A_149 = arith.constant 0 : i32
        %dma_start3A_150 = tpu.memref_slice %arg5[%select_n3A, %add3A_112, %dma_start3A_149] : memref<8x4096x512xf32, #tpu.memory_space<hbm>> -> memref<1x32x512xf32, #tpu.memory_space<hbm>>
        %dma_start3A_151 = tpu.memref_squeeze %dma_start3A_150 : memref<1x32x512xf32, #tpu.memory_space<hbm>> -> memref<32x512xf32, #tpu.memory_space<hbm>>
        tpu.enqueue_dma source(%arg14 : memref<32x512xf32, #tpu.memory_space<vmem>>) target(%dma_start3A_151 : memref<32x512xf32, #tpu.memory_space<hbm>>) target_semaphore(%run_scoped3A : memref<!tpu.dma_semaphore, #tpu.memory_space<semaphore_mem>>)
        %dma_wait3A_152 = arith.constant 0 : i32
        %dma_wait3A_153 = tpu.memref_slice %arg5[%select_n3A, %add3A_112, %dma_wait3A_152] : memref<8x4096x512xf32, #tpu.memory_space<hbm>> -> memref<1x32x512xf32, #tpu.memory_space<hbm>>
        %dma_wait3A_154 = tpu.memref_squeeze %dma_wait3A_153 : memref<1x32x512xf32, #tpu.memory_space<hbm>> -> memref<32x512xf32, #tpu.memory_space<hbm>>
        %dma_wait3A_155 = arith.constant 0 : i32
        %dma_wait3A_156 = tpu.memref_slice %arg5[%select_n3A, %add3A_112, %dma_wait3A_155] : memref<8x4096x512xf32, #tpu.memory_space<hbm>> -> memref<1x32x512xf32, #tpu.memory_space<hbm>>
        %dma_wait3A_157 = tpu.memref_squeeze %dma_wait3A_156 : memref<1x32x512xf32, #tpu.memory_space<hbm>> -> memref<32x512xf32, #tpu.memory_space<hbm>>
        tpu.wait_dma2 semaphore(%run_scoped3A : memref<!tpu.dma_semaphore, #tpu.memory_space<semaphore_mem>>) src(%arg14 : memref<32x512xf32, #tpu.memory_space<vmem>>) dst(%dma_wait3A_157 : memref<32x512xf32, #tpu.memory_space<hbm>>)
        tpu.yield
      }) : () -> ()
      %add3A_113 = arith.constant 2 : i32
      %add3A_114 = arith.addi %add3A_61, %add3A_113 : i32
      %lt3A_115 = arith.constant 32 : i32
      %lt3A_116 = arith.cmpi slt, %add3A_114, %lt3A_115 : i32
      %convert_element_type3A = arith.extui %lt3A_116 : i1 to i32
      %cond3A = arith.constant 0 : i32
      %cond3A_117 = arith.cmpi ne, %convert_element_type3A, %cond3A : i32
      scf.if %cond3A_117 {
        %add3A_146 = arith.constant 2 : i32
        %add3A_147 = arith.addi %add3A_61, %add3A_146 : i32
        %mul3A_148 = arith.constant 32 : i32
        %mul3A_149 = arith.muli %add3A_147, %mul3A_148 : i32
        %dma_start3A_150 = arith.constant 0 : i32
        %dma_start3A_151 = tpu.memref_slice %arg6[%dma_start3A_150, %mul3A_149] : memref<3x1024xi32, #tpu.memory_space<vmem>> -> memref<1x32xi32, #tpu.memory_space<vmem>>
        %dma_start3A_152 = tpu.memref_squeeze %dma_start3A_151 : memref<1x32xi32, #tpu.memory_space<vmem>> -> memref<32xi32, #tpu.memory_space<vmem>>
        %dma_start3A_153 = arith.constant 0 : i32
        %dma_start3A_154 = arith.constant 0 : i32
        %dma_start3A_155 = tpu.memref_slice %arg2[%dma_start3A_153, %dma_start3A_154] : memref<8192x512xf32, #tpu.memory_space<hbm>> -> memref<8192x512xf32, #tpu.memory_space<hbm>>
        tpu.enqueue_indirect_dma source(%dma_start3A_155 : memref<8192x512xf32, #tpu.memory_space<hbm>>) target(%arg8 : memref<32x512xf32, #tpu.memory_space<vmem>>) offsets(%dma_start3A_152 : memref<32xi32, #tpu.memory_space<vmem>>) semaphore(%arg15 : memref<!tpu.dma_semaphore, #tpu.memory_space<semaphore_mem>>)
        %mul3A_156 = arith.constant 32 : i32
        %mul3A_157 = arith.muli %add3A_147, %mul3A_156 : i32
        %dma_start3A_158 = arith.constant 1 : i32
        %dma_start3A_159 = tpu.memref_slice %arg6[%dma_start3A_158, %mul3A_157] : memref<3x1024xi32, #tpu.memory_space<vmem>> -> memref<1x32xi32, #tpu.memory_space<vmem>>
        %dma_start3A_160 = tpu.memref_squeeze %dma_start3A_159 : memref<1x32xi32, #tpu.memory_space<vmem>> -> memref<32xi32, #tpu.memory_space<vmem>>
        %dma_start3A_161 = arith.constant 0 : i32
        %dma_start3A_162 = arith.constant 0 : i32
        %dma_start3A_163 = tpu.memref_slice %arg2[%dma_start3A_161, %dma_start3A_162] : memref<8192x512xf32, #tpu.memory_space<hbm>> -> memref<8192x512xf32, #tpu.memory_space<hbm>>
        tpu.enqueue_indirect_dma source(%dma_start3A_163 : memref<8192x512xf32, #tpu.memory_space<hbm>>) target(%arg9 : memref<32x512xf32, #tpu.memory_space<vmem>>) offsets(%dma_start3A_160 : memref<32xi32, #tpu.memory_space<vmem>>) semaphore(%arg16 : memref<!tpu.dma_semaphore, #tpu.memory_space<semaphore_mem>>)
        %mul3A_164 = arith.constant 32 : i32
        %mul3A_165 = arith.muli %add3A_147, %mul3A_164 : i32
        %dma_start3A_166 = arith.constant 2 : i32
        %dma_start3A_167 = tpu.memref_slice %arg6[%dma_start3A_166, %mul3A_165] : memref<3x1024xi32, #tpu.memory_space<vmem>> -> memref<1x32xi32, #tpu.memory_space<vmem>>
        %dma_start3A_168 = tpu.memref_squeeze %dma_start3A_167 : memref<1x32xi32, #tpu.memory_space<vmem>> -> memref<32xi32, #tpu.memory_space<vmem>>
        %dma_start3A_169 = arith.constant 0 : i32
        %dma_start3A_170 = arith.constant 0 : i32
        %dma_start3A_171 = tpu.memref_slice %arg2[%dma_start3A_169, %dma_start3A_170] : memref<8192x512xf32, #tpu.memory_space<hbm>> -> memref<8192x512xf32, #tpu.memory_space<hbm>>
        tpu.enqueue_indirect_dma source(%dma_start3A_171 : memref<8192x512xf32, #tpu.memory_space<hbm>>) target(%arg10 : memref<32x512xf32, #tpu.memory_space<vmem>>) offsets(%dma_start3A_168 : memref<32xi32, #tpu.memory_space<vmem>>) semaphore(%arg17 : memref<!tpu.dma_semaphore, #tpu.memory_space<semaphore_mem>>)
      } else {
      }
      %dma_wait3A_118 = arith.constant 0 : i32
      %dma_wait3A_119 = arith.constant 0 : i32
      %dma_wait3A_120 = tpu.memref_slice %arg2[%dma_wait3A_118, %dma_wait3A_119] : memref<8192x512xf32, #tpu.memory_space<hbm>> -> memref<32x512xf32, #tpu.memory_space<hbm>>
      %dma_wait3A_121 = arith.constant 0 : i32
      %dma_wait3A_122 = arith.constant 0 : i32
      %dma_wait3A_123 = tpu.memref_slice %arg2[%dma_wait3A_121, %dma_wait3A_122] : memref<8192x512xf32, #tpu.memory_space<hbm>> -> memref<32x512xf32, #tpu.memory_space<hbm>>
      tpu.wait_dma2 semaphore(%arg18 : memref<!tpu.dma_semaphore, #tpu.memory_space<semaphore_mem>>) src(%dma_wait3A_123 : memref<32x512xf32, #tpu.memory_space<hbm>>) dst(%arg11 : memref<32x512xf32, #tpu.memory_space<vmem>>)
      %dma_wait3A_124 = arith.constant 0 : i32
      %dma_wait3A_125 = arith.constant 0 : i32
      %dma_wait3A_126 = tpu.memref_slice %arg2[%dma_wait3A_124, %dma_wait3A_125] : memref<8192x512xf32, #tpu.memory_space<hbm>> -> memref<32x512xf32, #tpu.memory_space<hbm>>
      %dma_wait3A_127 = arith.constant 0 : i32
      %dma_wait3A_128 = arith.constant 0 : i32
      %dma_wait3A_129 = tpu.memref_slice %arg2[%dma_wait3A_127, %dma_wait3A_128] : memref<8192x512xf32, #tpu.memory_space<hbm>> -> memref<32x512xf32, #tpu.memory_space<hbm>>
      tpu.wait_dma2 semaphore(%arg19 : memref<!tpu.dma_semaphore, #tpu.memory_space<semaphore_mem>>) src(%dma_wait3A_129 : memref<32x512xf32, #tpu.memory_space<hbm>>) dst(%arg12 : memref<32x512xf32, #tpu.memory_space<vmem>>)
      %dma_wait3A_130 = arith.constant 0 : i32
      %dma_wait3A_131 = arith.constant 0 : i32
      %dma_wait3A_132 = tpu.memref_slice %arg2[%dma_wait3A_130, %dma_wait3A_131] : memref<8192x512xf32, #tpu.memory_space<hbm>> -> memref<32x512xf32, #tpu.memory_space<hbm>>
      %dma_wait3A_133 = arith.constant 0 : i32
      %dma_wait3A_134 = arith.constant 0 : i32
      %dma_wait3A_135 = tpu.memref_slice %arg2[%dma_wait3A_133, %dma_wait3A_134] : memref<8192x512xf32, #tpu.memory_space<hbm>> -> memref<32x512xf32, #tpu.memory_space<hbm>>
      tpu.wait_dma2 semaphore(%arg20 : memref<!tpu.dma_semaphore, #tpu.memory_space<semaphore_mem>>) src(%dma_wait3A_135 : memref<32x512xf32, #tpu.memory_space<hbm>>) dst(%arg13 : memref<32x512xf32, #tpu.memory_space<vmem>>)
      %add3A_136 = arith.constant 1 : i32
      %add3A_137 = arith.addi %add3A_61, %add3A_136 : i32
      %scan3A_138 = arith.constant 0 : i32
      %scan3A_139 = arith.constant 32 : i32
      %scan3A_140 = arith.addi %scan3A_138, %scan3A_139 : i32
      %scan3A_141 = arith.constant 1 : i32
      scf.for %scan3A_146 = %scan3A_138 to %scan3A_140 step %scan3A_141  : i32 {
        %mul3A_147 = arith.constant 1 : i32
        %mul3A_148 = arith.muli %scan3A_146, %mul3A_147 : i32
        %add3A_149 = arith.constant 0 : i32
        %add3A_150 = arith.addi %add3A_149, %mul3A_148 : i32
        %mul3A_151 = arith.constant 32 : i32
        %mul3A_152 = arith.muli %add3A_137, %mul3A_151 : i32
        %add3A_153 = arith.addi %mul3A_152, %add3A_150 : i32
        %broadcast_in_dim3A = arith.constant 0 : i32
        %broadcast_in_dim3A_154 = vector.broadcast %broadcast_in_dim3A : i32 to vector<16xi32>
        %broadcast_in_dim3A_155 = vector.broadcast %add3A_153 : i32 to vector<16xi32>
        %gather3A = tpu.vector_load_idx %arg7[%broadcast_in_dim3A_154, %broadcast_in_dim3A_155] : memref<3x1024xf32, #tpu.memory_space<vmem>>[vector<16xi32>, vector<16xi32>], vector<16xf32>,
        %broadcast_in_dim3A_156 = arith.constant 1 : i32
        %broadcast_in_dim3A_157 = vector.broadcast %broadcast_in_dim3A_156 : i32 to vector<16xi32>
        %broadcast_in_dim3A_158 = vector.broadcast %add3A_153 : i32 to vector<16xi32>
        %gather3A_159 = tpu.vector_load_idx %arg7[%broadcast_in_dim3A_157, %broadcast_in_dim3A_158] : memref<3x1024xf32, #tpu.memory_space<vmem>>[vector<16xi32>, vector<16xi32>], vector<16xf32>,
        %broadcast_in_dim3A_160 = arith.constant 2 : i32
        %broadcast_in_dim3A_161 = vector.broadcast %broadcast_in_dim3A_160 : i32 to vector<16xi32>
        %broadcast_in_dim3A_162 = vector.broadcast %add3A_153 : i32 to vector<16xi32>
        %gather3A_163 = tpu.vector_load_idx %arg7[%broadcast_in_dim3A_161, %broadcast_in_dim3A_162] : memref<3x1024xf32, #tpu.memory_space<vmem>>[vector<16xi32>, vector<16xi32>], vector<16xf32>,
        %scan3A_164 = arith.constant 0 : i32
        %scan3A_165 = arith.constant 32 : i32
        %scan3A_166 = arith.addi %scan3A_164, %scan3A_165 : i32
        %scan3A_167 = arith.constant 1 : i32
        scf.for %scan3A_169 = %scan3A_164 to %scan3A_166 step %scan3A_167  : i32 {
          %mul3A_170 = arith.constant 16 : i32
          %mul3A_171 = arith.muli %scan3A_169, %mul3A_170 : i32
          %add3A_172 = arith.constant 0 : i32
          %add3A_173 = arith.addi %add3A_172, %mul3A_171 : i32
          %get3A = arith.index_cast %add3A_150 : i32 to index
          %get3A_174 = arith.index_cast %add3A_173 : i32 to index
          %get3A_175 = tpu.vector_load %arg11[%get3A, %get3A_174] {strides = array<i32>} : memref<32x512xf32, #tpu.memory_space<vmem>>, vector<16xf32>,
          %mul3A_176 = arith.mulf %gather3A, %get3A_175 : vector<16xf32>
          %get3A_177 = arith.index_cast %add3A_150 : i32 to index
          %get3A_178 = arith.index_cast %add3A_173 : i32 to index
          %get3A_179 = tpu.vector_load %arg12[%get3A_177, %get3A_178] {strides = array<i32>} : memref<32x512xf32, #tpu.memory_space<vmem>>, vector<16xf32>,
          %mul3A_180 = arith.mulf %gather3A_159, %get3A_179 : vector<16xf32>
          %add3A_181 = arith.addf %mul3A_176, %mul3A_180 : vector<16xf32>
          %get3A_182 = arith.index_cast %add3A_150 : i32 to index
          %get3A_183 = arith.index_cast %add3A_173 : i32 to index
          %get3A_184 = tpu.vector_load %arg13[%get3A_182, %get3A_183] {strides = array<i32>} : memref<32x512xf32, #tpu.memory_space<vmem>>, vector<16xf32>,
          %mul3A_185 = arith.mulf %gather3A_163, %get3A_184 : vector<16xf32>
          %add3A_186 = arith.addf %add3A_181, %mul3A_185 : vector<16xf32>
          %swap3A = arith.index_cast %add3A_150 : i32 to index
          %swap3A_187 = arith.index_cast %add3A_173 : i32 to index
          %swap3A_188 = tpu.vector_load %arg14[%swap3A, %swap3A_187] {strides = array<i32>} : memref<32x512xf32, #tpu.memory_space<vmem>>, vector<16xf32>,
          tpu.vector_store %arg14[%swap3A, %swap3A_187], %add3A_186 {strides = array<i32>} : memref<32x512xf32, #tpu.memory_space<vmem>>, vector<16xf32>,
        }
        %scan3A_168 = arith.constant 32 : i32
      }
      %scan3A_142 = arith.constant 32 : i32
      %mul3A_143 = arith.constant 32 : i32
      %mul3A_144 = arith.muli %add3A_137, %mul3A_143 : i32
      %add3A_145 = arith.addi %mul3A_32, %mul3A_144 : i32
      "tpu.region"() ({
        %run_scoped3A = tpu.sem_alloc : memref<!tpu.dma_semaphore, #tpu.memory_space<semaphore_mem>>
        %dma_start3A_146 = arith.constant 0 : i32
        %dma_start3A_147 = tpu.memref_slice %arg5[%select_n3A, %add3A_145, %dma_start3A_146] : memref<8x4096x512xf32, #tpu.memory_space<hbm>> -> memref<1x32x512xf32, #tpu.memory_space<hbm>>
        %dma_start3A_148 = tpu.memref_squeeze %dma_start3A_147 : memref<1x32x512xf32, #tpu.memory_space<hbm>> -> memref<32x512xf32, #tpu.memory_space<hbm>>
        %dma_start3A_149 = arith.constant 0 : i32
        %dma_start3A_150 = tpu.memref_slice %arg5[%select_n3A, %add3A_145, %dma_start3A_149] : memref<8x4096x512xf32, #tpu.memory_space<hbm>> -> memref<1x32x512xf32, #tpu.memory_space<hbm>>
        %dma_start3A_151 = tpu.memref_squeeze %dma_start3A_150 : memref<1x32x512xf32, #tpu.memory_space<hbm>> -> memref<32x512xf32, #tpu.memory_space<hbm>>
        tpu.enqueue_dma source(%arg14 : memref<32x512xf32, #tpu.memory_space<vmem>>) target(%dma_start3A_151 : memref<32x512xf32, #tpu.memory_space<hbm>>) target_semaphore(%run_scoped3A : memref<!tpu.dma_semaphore, #tpu.memory_space<semaphore_mem>>)
        %dma_wait3A_152 = arith.constant 0 : i32
        %dma_wait3A_153 = tpu.memref_slice %arg5[%select_n3A, %add3A_145, %dma_wait3A_152] : memref<8x4096x512xf32, #tpu.memory_space<hbm>> -> memref<1x32x512xf32, #tpu.memory_space<hbm>>
        %dma_wait3A_154 = tpu.memref_squeeze %dma_wait3A_153 : memref<1x32x512xf32, #tpu.memory_space<hbm>> -> memref<32x512xf32, #tpu.memory_space<hbm>>
        %dma_wait3A_155 = arith.constant 0 : i32
        %dma_wait3A_156 = tpu.memref_slice %arg5[%select_n3A, %add3A_145, %dma_wait3A_155] : memref<8x4096x512xf32, #tpu.memory_space<hbm>> -> memref<1x32x512xf32, #tpu.memory_space<hbm>>
        %dma_wait3A_157 = tpu.memref_squeeze %dma_wait3A_156 : memref<1x32x512xf32, #tpu.memory_space<hbm>> -> memref<32x512xf32, #tpu.memory_space<hbm>>
        tpu.wait_dma2 semaphore(%run_scoped3A : memref<!tpu.dma_semaphore, #tpu.memory_space<semaphore_mem>>) src(%arg14 : memref<32x512xf32, #tpu.memory_space<vmem>>) dst(%dma_wait3A_157 : memref<32x512xf32, #tpu.memory_space<hbm>>)
        tpu.yield
      }) : () -> ()
    }
    %scan3A_56 = arith.constant 16 : i32
    return
  }
}

module attributes {stable_mosaic.version = 14 : i64} {
  func.func @_dist_body(%arg0: i32, %arg1: i32, %arg2: memref<1x3x512xf32, #tpu.memory_space<vmem>>, %arg3: memref<1x1024x3xf32, #tpu.memory_space<vmem>>, %arg4: memref<1x3x512xi32, #tpu.memory_space<vmem>>, %arg5: memref<1x3x512xf32, #tpu.memory_space<vmem>>) attributes {dimension_semantics = [#tpu.dimension_semantics<arbitrary>, #tpu.dimension_semantics<arbitrary>], iteration_bounds = array<i64: 8, 8>, scalar_prefetch = 0 : i64, scratch_operands = 0 : i64, tpu.core_type = #tpu.core_type<tc>, window_params = [{transform_indices = @transform_0, window_bounds = array<i64: 1, 3, 512>}, {transform_indices = @transform_1, window_bounds = array<i64: 1, 1024, 3>}, {transform_indices = @transform_2, window_bounds = array<i64: 1, 3, 512>}, {transform_indices = @transform_3, window_bounds = array<i64: 1, 3, 512>}]} {
    %get3A = arith.constant 0 : index
    %get3A_0 = arith.constant 0 : index
    %get3A_1 = arith.constant 0 : index
    %get3A_2 = vector.load %arg2[%get3A, %get3A_0, %get3A_1] : memref<1x3x512xf32, #tpu.memory_space<vmem>>, vector<1x3x512xf32>
    %get3A_3 = vector.shape_cast %get3A_2 : vector<1x3x512xf32> to vector<3x512xf32>
    %get3A_4 = arith.constant 0 : index
    %get3A_5 = arith.constant 0 : index
    %get3A_6 = arith.constant 0 : index
    %get3A_7 = vector.load %arg3[%get3A_4, %get3A_5, %get3A_6] : memref<1x1024x3xf32, #tpu.memory_space<vmem>>, vector<1x1024x3xf32>
    %get3A_8 = vector.shape_cast %get3A_7 : vector<1x1024x3xf32> to vector<1024x3xf32>
    %slice3A = vector.extract_strided_slice %get3A_3 {offsets = [0, 0], sizes = [1, 512], strides = [1, 1]} : vector<3x512xf32> to vector<1x512xf32>
    %slice3A_9 = vector.extract_strided_slice %get3A_3 {offsets = [0, 0], sizes = [1, 512], strides = [1, 1]} : vector<3x512xf32> to vector<1x512xf32>
    %mul3A = arith.mulf %slice3A, %slice3A_9 : vector<1x512xf32>
    %slice3A_10 = vector.extract_strided_slice %get3A_3 {offsets = [1, 0], sizes = [1, 512], strides = [1, 1]} : vector<3x512xf32> to vector<1x512xf32>
    %slice3A_11 = vector.extract_strided_slice %get3A_3 {offsets = [1, 0], sizes = [1, 512], strides = [1, 1]} : vector<3x512xf32> to vector<1x512xf32>
    %mul3A_12 = arith.mulf %slice3A_10, %slice3A_11 : vector<1x512xf32>
    %add3A = arith.addf %mul3A, %mul3A_12 : vector<1x512xf32>
    %slice3A_13 = vector.extract_strided_slice %get3A_3 {offsets = [2, 0], sizes = [1, 512], strides = [1, 1]} : vector<3x512xf32> to vector<1x512xf32>
    %slice3A_14 = vector.extract_strided_slice %get3A_3 {offsets = [2, 0], sizes = [1, 512], strides = [1, 1]} : vector<3x512xf32> to vector<1x512xf32>
    %mul3A_15 = arith.mulf %slice3A_13, %slice3A_14 : vector<1x512xf32>
    %add3A_16 = arith.addf %add3A, %mul3A_15 : vector<1x512xf32>
    %slice3A_17 = vector.extract_strided_slice %get3A_8 {offsets = [0, 0], sizes = [1024, 1], strides = [1, 1]} : vector<1024x3xf32> to vector<1024x1xf32>
    %slice3A_18 = vector.extract_strided_slice %get3A_8 {offsets = [0, 0], sizes = [1024, 1], strides = [1, 1]} : vector<1024x3xf32> to vector<1024x1xf32>
    %mul3A_19 = arith.mulf %slice3A_17, %slice3A_18 : vector<1024x1xf32>
    %slice3A_20 = vector.extract_strided_slice %get3A_8 {offsets = [0, 1], sizes = [1024, 1], strides = [1, 1]} : vector<1024x3xf32> to vector<1024x1xf32>
    %slice3A_21 = vector.extract_strided_slice %get3A_8 {offsets = [0, 1], sizes = [1024, 1], strides = [1, 1]} : vector<1024x3xf32> to vector<1024x1xf32>
    %mul3A_22 = arith.mulf %slice3A_20, %slice3A_21 : vector<1024x1xf32>
    %add3A_23 = arith.addf %mul3A_19, %mul3A_22 : vector<1024x1xf32>
    %slice3A_24 = vector.extract_strided_slice %get3A_8 {offsets = [0, 2], sizes = [1024, 1], strides = [1, 1]} : vector<1024x3xf32> to vector<1024x1xf32>
    %slice3A_25 = vector.extract_strided_slice %get3A_8 {offsets = [0, 2], sizes = [1024, 1], strides = [1, 1]} : vector<1024x3xf32> to vector<1024x1xf32>
    %mul3A_26 = arith.mulf %slice3A_24, %slice3A_25 : vector<1024x1xf32>
    %add3A_27 = arith.addf %add3A_23, %mul3A_26 : vector<1024x1xf32>
    %dot_general3A = arith.constant dense<0.000000e+00> : vector<1024x512xf32>
    %dot_general3A_28 = tpu.matmul %get3A_8, %get3A_3, %dot_general3A {dimension_numbers = #tpu.dot_dimension_numbers<[1], [0], [0], [1], [0, 0, 1, 1], [], []>, transpose_lhs_hint = false} : vector<1024x3xf32>, vector<3x512xf32>, vector<1024x512xf32> -> vector<1024x512xf32>
    %add3A_29 = vector.broadcast %add3A_27 : vector<1024x1xf32> to vector<1024x512xf32>
    %add3A_30 = vector.broadcast %add3A_16 : vector<1x512xf32> to vector<1024x512xf32>
    %add3A_31 = arith.addf %add3A_29, %add3A_30 : vector<1024x512xf32>
    %mul3A_32 = arith.constant 2.000000e+00 : f32
    %mul3A_33 = vector.broadcast %mul3A_32 : f32 to vector<1024x512xf32>
    %mul3A_34 = arith.mulf %mul3A_33, %dot_general3A_28 : vector<1024x512xf32>
    %sub3A = arith.subf %add3A_31, %mul3A_34 : vector<1024x512xf32>
    %iota3A = tpu.iota {dimensions = array<i32: 0>} : vector<1024x512xi32>
    %reduce_min3A = arith.constant dense<0x7F800000> : vector<512xf32>
    %reduce_min3A_35 = vector.multi_reduction <minimumf>, %sub3A, %reduce_min3A [0] : vector<1024x512xf32> to vector<512xf32>
    %broadcast_in_dim3A = vector.shape_cast %reduce_min3A_35 : vector<512xf32> to vector<1x512xf32>
    %eq3A = vector.broadcast %broadcast_in_dim3A : vector<1x512xf32> to vector<1024x512xf32>
    %eq3A_36 = arith.cmpf oeq, %sub3A, %eq3A : vector<1024x512xf32>
    %jit3A = arith.constant 1024 : i32
    %broadcast_in_dim3A_37 = vector.broadcast %jit3A : i32 to vector<1024x512xi32>
    %select_n3A = arith.select %eq3A_36, %iota3A, %broadcast_in_dim3A_37 : vector<1024x512xi1>, vector<1024x512xi32>
    %reduce_min3A_38 = arith.constant dense<2147483647> : vector<512xi32>
    %reduce_min3A_39 = vector.multi_reduction <minsi>, %select_n3A, %reduce_min3A_38 [0] : vector<1024x512xi32> to vector<512xi32>
    %broadcast_in_dim3A_40 = vector.shape_cast %reduce_min3A_39 : vector<512xi32> to vector<1x512xi32>
    %eq3A_41 = vector.broadcast %broadcast_in_dim3A_40 : vector<1x512xi32> to vector<1024x512xi32>
    %eq3A_42 = arith.cmpi eq, %iota3A, %eq3A_41 : vector<1024x512xi32>
    %add3A_43 = arith.constant 9.99999993E-9 : f32
    %add3A_44 = vector.broadcast %add3A_43 : f32 to vector<1x512xf32>
    %add3A_45 = arith.addf %broadcast_in_dim3A, %add3A_44 : vector<1x512xf32>
    %div3A = arith.constant 1.000000e+00 : f32
    %div3A_46 = vector.broadcast %div3A : f32 to vector<1x512xf32>
    %div3A_47 = arith.divf %div3A_46, %add3A_45 : vector<1x512xf32>
    %jit3A_48 = arith.constant 0x7F800000 : f32
    %broadcast_in_dim3A_49 = vector.broadcast %jit3A_48 : f32 to vector<1024x512xf32>
    %select_n3A_50 = arith.select %eq3A_42, %broadcast_in_dim3A_49, %sub3A : vector<1024x512xi1>, vector<1024x512xf32>
    %reduce_min3A_51 = arith.constant dense<0x7F800000> : vector<512xf32>
    %reduce_min3A_52 = vector.multi_reduction <minimumf>, %select_n3A_50, %reduce_min3A_51 [0] : vector<1024x512xf32> to vector<512xf32>
    %broadcast_in_dim3A_53 = vector.shape_cast %reduce_min3A_52 : vector<512xf32> to vector<1x512xf32>
    %eq3A_54 = vector.broadcast %broadcast_in_dim3A_53 : vector<1x512xf32> to vector<1024x512xf32>
    %eq3A_55 = arith.cmpf oeq, %select_n3A_50, %eq3A_54 : vector<1024x512xf32>
    %jit3A_56 = arith.constant 1024 : i32
    %broadcast_in_dim3A_57 = vector.broadcast %jit3A_56 : i32 to vector<1024x512xi32>
    %select_n3A_58 = arith.select %eq3A_55, %iota3A, %broadcast_in_dim3A_57 : vector<1024x512xi1>, vector<1024x512xi32>
    %reduce_min3A_59 = arith.constant dense<2147483647> : vector<512xi32>
    %reduce_min3A_60 = vector.multi_reduction <minsi>, %select_n3A_58, %reduce_min3A_59 [0] : vector<1024x512xi32> to vector<512xi32>
    %broadcast_in_dim3A_61 = vector.shape_cast %reduce_min3A_60 : vector<512xi32> to vector<1x512xi32>
    %eq3A_62 = vector.broadcast %broadcast_in_dim3A_61 : vector<1x512xi32> to vector<1024x512xi32>
    %eq3A_63 = arith.cmpi eq, %iota3A, %eq3A_62 : vector<1024x512xi32>
    %add3A_64 = arith.constant 9.99999993E-9 : f32
    %add3A_65 = vector.broadcast %add3A_64 : f32 to vector<1x512xf32>
    %add3A_66 = arith.addf %broadcast_in_dim3A_53, %add3A_65 : vector<1x512xf32>
    %div3A_67 = arith.constant 1.000000e+00 : f32
    %div3A_68 = vector.broadcast %div3A_67 : f32 to vector<1x512xf32>
    %div3A_69 = arith.divf %div3A_68, %add3A_66 : vector<1x512xf32>
    %jit3A_70 = arith.constant 0x7F800000 : f32
    %broadcast_in_dim3A_71 = vector.broadcast %jit3A_70 : f32 to vector<1024x512xf32>
    %select_n3A_72 = arith.select %eq3A_63, %broadcast_in_dim3A_71, %select_n3A_50 : vector<1024x512xi1>, vector<1024x512xf32>
    %reduce_min3A_73 = arith.constant dense<0x7F800000> : vector<512xf32>
    %reduce_min3A_74 = vector.multi_reduction <minimumf>, %select_n3A_72, %reduce_min3A_73 [0] : vector<1024x512xf32> to vector<512xf32>
    %broadcast_in_dim3A_75 = vector.shape_cast %reduce_min3A_74 : vector<512xf32> to vector<1x512xf32>
    %eq3A_76 = vector.broadcast %broadcast_in_dim3A_75 : vector<1x512xf32> to vector<1024x512xf32>
    %eq3A_77 = arith.cmpf oeq, %select_n3A_72, %eq3A_76 : vector<1024x512xf32>
    %jit3A_78 = arith.constant 1024 : i32
    %broadcast_in_dim3A_79 = vector.broadcast %jit3A_78 : i32 to vector<1024x512xi32>
    %select_n3A_80 = arith.select %eq3A_77, %iota3A, %broadcast_in_dim3A_79 : vector<1024x512xi1>, vector<1024x512xi32>
    %reduce_min3A_81 = arith.constant dense<2147483647> : vector<512xi32>
    %reduce_min3A_82 = vector.multi_reduction <minsi>, %select_n3A_80, %reduce_min3A_81 [0] : vector<1024x512xi32> to vector<512xi32>
    %broadcast_in_dim3A_83 = vector.shape_cast %reduce_min3A_82 : vector<512xi32> to vector<1x512xi32>
    %add3A_84 = arith.constant 9.99999993E-9 : f32
    %add3A_85 = vector.broadcast %add3A_84 : f32 to vector<1x512xf32>
    %add3A_86 = arith.addf %broadcast_in_dim3A_75, %add3A_85 : vector<1x512xf32>
    %div3A_87 = arith.constant 1.000000e+00 : f32
    %div3A_88 = vector.broadcast %div3A_87 : f32 to vector<1x512xf32>
    %div3A_89 = arith.divf %div3A_88, %add3A_86 : vector<1x512xf32>
    %add3A_90 = arith.addf %div3A_47, %div3A_69 : vector<1x512xf32>
    %add3A_91 = arith.addf %add3A_90, %div3A_89 : vector<1x512xf32>
    %mul3A_92 = arith.constant 1024 : i32
    %mul3A_93 = arith.muli %arg0, %mul3A_92 : i32
    %add3A_94 = vector.broadcast %mul3A_93 : i32 to vector<1x512xi32>
    %add3A_95 = arith.addi %broadcast_in_dim3A_40, %add3A_94 : vector<1x512xi32>
    %swap3A = arith.constant 0 : index
    %swap3A_96 = arith.constant 0 : index
    %swap3A_97 = arith.constant 0 : index
    %swap3A_98 = vector.load %arg4[%swap3A, %swap3A_96, %swap3A_97] : memref<1x3x512xi32, #tpu.memory_space<vmem>>, vector<1x1x512xi32>
    %swap3A_99 = vector.shape_cast %swap3A_98 : vector<1x1x512xi32> to vector<1x512xi32>
    %swap3A_100 = vector.shape_cast %add3A_95 : vector<1x512xi32> to vector<1x1x512xi32>
    tpu.vector_store %arg4[%swap3A, %swap3A_96, %swap3A_97], %swap3A_100 {strides = array<i32>} : memref<1x3x512xi32, #tpu.memory_space<vmem>>, vector<1x1x512xi32>,
    %div3A_101 = arith.divf %div3A_47, %add3A_91 : vector<1x512xf32>
    %swap3A_102 = arith.constant 0 : index
    %swap3A_103 = arith.constant 0 : index
    %swap3A_104 = arith.constant 0 : index
    %swap3A_105 = vector.load %arg5[%swap3A_102, %swap3A_103, %swap3A_104] : memref<1x3x512xf32, #tpu.memory_space<vmem>>, vector<1x1x512xf32>
    %swap3A_106 = vector.shape_cast %swap3A_105 : vector<1x1x512xf32> to vector<1x512xf32>
    %swap3A_107 = vector.shape_cast %div3A_101 : vector<1x512xf32> to vector<1x1x512xf32>
    tpu.vector_store %arg5[%swap3A_102, %swap3A_103, %swap3A_104], %swap3A_107 {strides = array<i32>} : memref<1x3x512xf32, #tpu.memory_space<vmem>>, vector<1x1x512xf32>,
    %mul3A_108 = arith.constant 1024 : i32
    %mul3A_109 = arith.muli %arg0, %mul3A_108 : i32
    %add3A_110 = vector.broadcast %mul3A_109 : i32 to vector<1x512xi32>
    %add3A_111 = arith.addi %broadcast_in_dim3A_61, %add3A_110 : vector<1x512xi32>
    %swap3A_112 = arith.constant 0 : index
    %swap3A_113 = arith.constant 1 : index
    %swap3A_114 = arith.constant 0 : index
    %swap3A_115 = vector.load %arg4[%swap3A_112, %swap3A_113, %swap3A_114] : memref<1x3x512xi32, #tpu.memory_space<vmem>>, vector<1x1x512xi32>
    %swap3A_116 = vector.shape_cast %swap3A_115 : vector<1x1x512xi32> to vector<1x512xi32>
    %swap3A_117 = vector.shape_cast %add3A_111 : vector<1x512xi32> to vector<1x1x512xi32>
    tpu.vector_store %arg4[%swap3A_112, %swap3A_113, %swap3A_114], %swap3A_117 {strides = array<i32>} : memref<1x3x512xi32, #tpu.memory_space<vmem>>, vector<1x1x512xi32>,
    %div3A_118 = arith.divf %div3A_69, %add3A_91 : vector<1x512xf32>
    %swap3A_119 = arith.constant 0 : index
    %swap3A_120 = arith.constant 1 : index
    %swap3A_121 = arith.constant 0 : index
    %swap3A_122 = vector.load %arg5[%swap3A_119, %swap3A_120, %swap3A_121] : memref<1x3x512xf32, #tpu.memory_space<vmem>>, vector<1x1x512xf32>
    %swap3A_123 = vector.shape_cast %swap3A_122 : vector<1x1x512xf32> to vector<1x512xf32>
    %swap3A_124 = vector.shape_cast %div3A_118 : vector<1x512xf32> to vector<1x1x512xf32>
    tpu.vector_store %arg5[%swap3A_119, %swap3A_120, %swap3A_121], %swap3A_124 {strides = array<i32>} : memref<1x3x512xf32, #tpu.memory_space<vmem>>, vector<1x1x512xf32>,
    %mul3A_125 = arith.constant 1024 : i32
    %mul3A_126 = arith.muli %arg0, %mul3A_125 : i32
    %add3A_127 = vector.broadcast %mul3A_126 : i32 to vector<1x512xi32>
    %add3A_128 = arith.addi %broadcast_in_dim3A_83, %add3A_127 : vector<1x512xi32>
    %swap3A_129 = arith.constant 0 : index
    %swap3A_130 = arith.constant 2 : index
    %swap3A_131 = arith.constant 0 : index
    %swap3A_132 = vector.load %arg4[%swap3A_129, %swap3A_130, %swap3A_131] : memref<1x3x512xi32, #tpu.memory_space<vmem>>, vector<1x1x512xi32>
    %swap3A_133 = vector.shape_cast %swap3A_132 : vector<1x1x512xi32> to vector<1x512xi32>
    %swap3A_134 = vector.shape_cast %add3A_128 : vector<1x512xi32> to vector<1x1x512xi32>
    tpu.vector_store %arg4[%swap3A_129, %swap3A_130, %swap3A_131], %swap3A_134 {strides = array<i32>} : memref<1x3x512xi32, #tpu.memory_space<vmem>>, vector<1x1x512xi32>,
    %div3A_135 = arith.divf %div3A_89, %add3A_91 : vector<1x512xf32>
    %swap3A_136 = arith.constant 0 : index
    %swap3A_137 = arith.constant 2 : index
    %swap3A_138 = arith.constant 0 : index
    %swap3A_139 = vector.load %arg5[%swap3A_136, %swap3A_137, %swap3A_138] : memref<1x3x512xf32, #tpu.memory_space<vmem>>, vector<1x1x512xf32>
    %swap3A_140 = vector.shape_cast %swap3A_139 : vector<1x1x512xf32> to vector<1x512xf32>
    %swap3A_141 = vector.shape_cast %div3A_135 : vector<1x512xf32> to vector<1x1x512xf32>
    tpu.vector_store %arg5[%swap3A_136, %swap3A_137, %swap3A_138], %swap3A_141 {strides = array<i32>} : memref<1x3x512xf32, #tpu.memory_space<vmem>>, vector<1x1x512xf32>,
    return
  }
  func.func @transform_0(%arg0: i32, %arg1: i32) -> (i32, i32, i32) {
    %c0_i32 = arith.constant 0 : i32
    %c0_i32_0 = arith.constant 0 : i32
    return %arg0, %c0_i32, %arg1 : i32, i32, i32
  }
  func.func @transform_1(%arg0: i32, %arg1: i32) -> (i32, i32, i32) {
    %c0_i32 = arith.constant 0 : i32
    %c0_i32_0 = arith.constant 0 : i32
    %c0_i32_1 = arith.constant 0 : i32
    return %arg0, %c0_i32, %c0_i32_0 : i32, i32, i32
  }
  func.func @transform_2(%arg0: i32, %arg1: i32) -> (i32, i32, i32) {
    %c0_i32 = arith.constant 0 : i32
    %c0_i32_0 = arith.constant 0 : i32
    return %arg0, %c0_i32, %arg1 : i32, i32, i32
  }
  func.func @transform_3(%arg0: i32, %arg1: i32) -> (i32, i32, i32) {
    %c0_i32 = arith.constant 0 : i32
    %c0_i32_0 = arith.constant 0 : i32
    return %arg0, %c0_i32, %arg1 : i32, i32, i32
  }
}

module attributes {stable_mosaic.version = 14 : i64} {
  func.func @_l0_body(%arg0: i32, %arg1: i32, %arg2: memref<1x256x512xf32, #tpu.memory_space<vmem>>, %arg3: memref<1x512x512xf32, #tpu.memory_space<vmem>>, %arg4: memref<512x256xf32, #tpu.memory_space<vmem>>, %arg5: memref<512x512xf32, #tpu.memory_space<vmem>>, %arg6: memref<512x1xf32, #tpu.memory_space<vmem>>, %arg7: memref<1x512x512xf32, #tpu.memory_space<vmem>>, %arg8: memref<512x2xf32, #tpu.memory_space<vmem>>, %arg9: memref<512x512xf32, #tpu.memory_space<vmem>>, %arg10: memref<512x512xf32, #tpu.memory_space<vmem>>) attributes {dimension_semantics = [#tpu.dimension_semantics<arbitrary>, #tpu.dimension_semantics<arbitrary>], iteration_bounds = array<i64: 8, 8>, scalar_prefetch = 0 : i64, scratch_operands = 2 : i64, tpu.core_type = #tpu.core_type<tc>, window_params = [{transform_indices = @transform_0, window_bounds = array<i64: 1, 256, 512>}, {transform_indices = @transform_1, window_bounds = array<i64: 1, 512, 512>}, {pipeline_mode = #tpu.pipeline_mode<synchronous>, transform_indices = @transform_2, window_bounds = array<i64: 512, 256>}, {pipeline_mode = #tpu.pipeline_mode<synchronous>, transform_indices = @transform_3, window_bounds = array<i64: 512, 512>}, {pipeline_mode = #tpu.pipeline_mode<synchronous>, transform_indices = @transform_4, window_bounds = array<i64: 512, 1>}, {transform_indices = @transform_5, window_bounds = array<i64: 1, 512, 512>}, {pipeline_mode = #tpu.pipeline_mode<synchronous>, transform_indices = @transform_6, window_bounds = array<i64: 512, 2>}]} {
    %mul3A = arith.constant 8 : i32
    %mul3A_0 = arith.muli %arg0, %mul3A : i32
    %add3A = arith.addi %mul3A_0, %arg1 : i32
    %get3A = arith.constant 0 : index
    %get3A_1 = arith.constant 0 : index
    %get3A_2 = vector.load %arg4[%get3A, %get3A_1] : memref<512x256xf32, #tpu.memory_space<vmem>>, vector<512x256xf32>
    %get3A_3 = arith.constant 0 : index
    %get3A_4 = arith.constant 0 : index
    %get3A_5 = arith.constant 0 : index
    %get3A_6 = vector.load %arg2[%get3A_3, %get3A_4, %get3A_5] : memref<1x256x512xf32, #tpu.memory_space<vmem>>, vector<1x256x512xf32>
    %get3A_7 = vector.shape_cast %get3A_6 : vector<1x256x512xf32> to vector<256x512xf32>
    %dot_general3A = arith.constant dense<0.000000e+00> : vector<512x512xf32>
    %dot_general3A_8 = tpu.matmul %get3A_2, %get3A_7, %dot_general3A {dimension_numbers = #tpu.dot_dimension_numbers<[1], [0], [0], [1], [0, 0, 1, 1], [], []>, transpose_lhs_hint = false} : vector<512x256xf32>, vector<256x512xf32>, vector<512x512xf32> -> vector<512x512xf32>
    %get3A_9 = arith.constant 0 : index
    %get3A_10 = arith.constant 0 : index
    %get3A_11 = vector.load %arg5[%get3A_9, %get3A_10] : memref<512x512xf32, #tpu.memory_space<vmem>>, vector<512x512xf32>
    %get3A_12 = arith.constant 0 : index
    %get3A_13 = arith.constant 0 : index
    %get3A_14 = arith.constant 0 : index
    %get3A_15 = vector.load %arg3[%get3A_12, %get3A_13, %get3A_14] : memref<1x512x512xf32, #tpu.memory_space<vmem>>, vector<1x512x512xf32>
    %get3A_16 = vector.shape_cast %get3A_15 : vector<1x512x512xf32> to vector<512x512xf32>
    %dot_general3A_17 = arith.constant dense<0.000000e+00> : vector<512x512xf32>
    %dot_general3A_18 = tpu.matmul %get3A_11, %get3A_16, %dot_general3A_17 {dimension_numbers = #tpu.dot_dimension_numbers<[1], [1], [0], [0], [0, 0, 1, 0], [], []>, transpose_lhs_hint = false} : vector<512x512xf32>, vector<512x512xf32>, vector<512x512xf32> -> vector<512x512xf32>
    %add3A_19 = arith.addf %dot_general3A_8, %dot_general3A_18 : vector<512x512xf32>
    %get3A_20 = arith.constant 0 : index
    %get3A_21 = arith.constant 0 : index
    %get3A_22 = vector.load %arg6[%get3A_20, %get3A_21] : memref<512x1xf32, #tpu.memory_space<vmem>>, vector<512x1xf32>
    %add3A_23 = vector.broadcast %get3A_22 : vector<512x1xf32> to vector<512x512xf32>
    %add3A_24 = arith.addf %add3A_19, %add3A_23 : vector<512x512xf32>
    %swap3A = arith.constant 0 : index
    %swap3A_25 = arith.constant 0 : index
    %swap3A_26 = arith.constant 0 : index
    %swap3A_27 = vector.load %arg7[%swap3A, %swap3A_25, %swap3A_26] : memref<1x512x512xf32, #tpu.memory_space<vmem>>, vector<1x512x512xf32>
    %swap3A_28 = vector.shape_cast %swap3A_27 : vector<1x512x512xf32> to vector<512x512xf32>
    %swap3A_29 = vector.shape_cast %add3A_24 : vector<512x512xf32> to vector<1x512x512xf32>
    tpu.vector_store %arg7[%swap3A, %swap3A_25, %swap3A_26], %swap3A_29 {strides = array<i32>} : memref<1x512x512xf32, #tpu.memory_space<vmem>>, vector<1x512x512xf32>,
    %eq3A = arith.constant 0 : i32
    %eq3A_30 = arith.cmpi eq, %add3A, %eq3A : i32
    %convert_element_type3A = arith.extui %eq3A_30 : i1 to i32
    %cond3A = arith.constant 0 : i32
    %cond3A_31 = arith.cmpi ne, %convert_element_type3A, %cond3A : i32
    scf.if %cond3A_31 {
      %swap3A_41 = arith.constant 0 : index
      %swap3A_42 = arith.constant 0 : index
      %swap3A_43 = vector.load %arg9[%swap3A_41, %swap3A_42] : memref<512x512xf32, #tpu.memory_space<vmem>>, vector<512x512xf32>
      tpu.vector_store %arg9[%swap3A_41, %swap3A_42], %add3A_24 {strides = array<i32>} : memref<512x512xf32, #tpu.memory_space<vmem>>, vector<512x512xf32>,
      %mul3A_44 = arith.mulf %add3A_24, %add3A_24 : vector<512x512xf32>
      %swap3A_45 = arith.constant 0 : index
      %swap3A_46 = arith.constant 0 : index
      %swap3A_47 = vector.load %arg10[%swap3A_45, %swap3A_46] : memref<512x512xf32, #tpu.memory_space<vmem>>, vector<512x512xf32>
      tpu.vector_store %arg10[%swap3A_45, %swap3A_46], %mul3A_44 {strides = array<i32>} : memref<512x512xf32, #tpu.memory_space<vmem>>, vector<512x512xf32>,
    } else {
    }
    %ne3A = arith.constant 0 : i32
    %ne3A_32 = arith.cmpi ne, %add3A, %ne3A : i32
    %convert_element_type3A_33 = arith.extui %ne3A_32 : i1 to i32
    %cond3A_34 = arith.constant 0 : i32
    %cond3A_35 = arith.cmpi ne, %convert_element_type3A_33, %cond3A_34 : i32
    scf.if %cond3A_35 {
      %get3A_41 = arith.constant 0 : index
      %get3A_42 = arith.constant 0 : index
      %get3A_43 = vector.load %arg9[%get3A_41, %get3A_42] : memref<512x512xf32, #tpu.memory_space<vmem>>, vector<512x512xf32>
      %add3A_44 = arith.addf %get3A_43, %add3A_24 : vector<512x512xf32>
      %swap3A_45 = arith.constant 0 : index
      %swap3A_46 = arith.constant 0 : index
      %swap3A_47 = vector.load %arg9[%swap3A_45, %swap3A_46] : memref<512x512xf32, #tpu.memory_space<vmem>>, vector<512x512xf32>
      tpu.vector_store %arg9[%swap3A_45, %swap3A_46], %add3A_44 {strides = array<i32>} : memref<512x512xf32, #tpu.memory_space<vmem>>, vector<512x512xf32>,
      %get3A_48 = arith.constant 0 : index
      %get3A_49 = arith.constant 0 : index
      %get3A_50 = vector.load %arg10[%get3A_48, %get3A_49] : memref<512x512xf32, #tpu.memory_space<vmem>>, vector<512x512xf32>
      %mul3A_51 = arith.mulf %add3A_24, %add3A_24 : vector<512x512xf32>
      %add3A_52 = arith.addf %get3A_50, %mul3A_51 : vector<512x512xf32>
      %swap3A_53 = arith.constant 0 : index
      %swap3A_54 = arith.constant 0 : index
      %swap3A_55 = vector.load %arg10[%swap3A_53, %swap3A_54] : memref<512x512xf32, #tpu.memory_space<vmem>>, vector<512x512xf32>
      tpu.vector_store %arg10[%swap3A_53, %swap3A_54], %add3A_52 {strides = array<i32>} : memref<512x512xf32, #tpu.memory_space<vmem>>, vector<512x512xf32>,
    } else {
    }
    %eq3A_36 = arith.constant 63 : i32
    %eq3A_37 = arith.cmpi eq, %add3A, %eq3A_36 : i32
    %convert_element_type3A_38 = arith.extui %eq3A_37 : i1 to i32
    %cond3A_39 = arith.constant 0 : i32
    %cond3A_40 = arith.cmpi ne, %convert_element_type3A_38, %cond3A_39 : i32
    scf.if %cond3A_40 {
      %get3A_41 = arith.constant 0 : index
      %get3A_42 = arith.constant 0 : index
      %get3A_43 = vector.load %arg9[%get3A_41, %get3A_42] : memref<512x512xf32, #tpu.memory_space<vmem>>, vector<512x512xf32>
      %reduce_sum3A = arith.constant dense<0.000000e+00> : vector<512xf32>
      %reduce_sum3A_44 = vector.multi_reduction <add>, %get3A_43, %reduce_sum3A [1] : vector<512x512xf32> to vector<512xf32>
      %broadcast_in_dim3A = vector.shape_cast %reduce_sum3A_44 : vector<512xf32> to vector<512x1xf32>
      %swap3A_45 = arith.constant 0 : index
      %swap3A_46 = arith.constant 0 : index
      %swap3A_47 = vector.load %arg8[%swap3A_45, %swap3A_46] : memref<512x2xf32, #tpu.memory_space<vmem>>, vector<512x1xf32>
      tpu.vector_store %arg8[%swap3A_45, %swap3A_46], %broadcast_in_dim3A {strides = array<i32>} : memref<512x2xf32, #tpu.memory_space<vmem>>, vector<512x1xf32>,
      %get3A_48 = arith.constant 0 : index
      %get3A_49 = arith.constant 0 : index
      %get3A_50 = vector.load %arg10[%get3A_48, %get3A_49] : memref<512x512xf32, #tpu.memory_space<vmem>>, vector<512x512xf32>
      %reduce_sum3A_51 = arith.constant dense<0.000000e+00> : vector<512xf32>
      %reduce_sum3A_52 = vector.multi_reduction <add>, %get3A_50, %reduce_sum3A_51 [1] : vector<512x512xf32> to vector<512xf32>
      %broadcast_in_dim3A_53 = vector.shape_cast %reduce_sum3A_52 : vector<512xf32> to vector<512x1xf32>
      %swap3A_54 = arith.constant 0 : index
      %swap3A_55 = arith.constant 1 : index
      %swap3A_56 = vector.load %arg8[%swap3A_54, %swap3A_55] : memref<512x2xf32, #tpu.memory_space<vmem>>, vector<512x1xf32>
      tpu.vector_store %arg8[%swap3A_54, %swap3A_55], %broadcast_in_dim3A_53 {strides = array<i32>} : memref<512x2xf32, #tpu.memory_space<vmem>>, vector<512x1xf32>,
    } else {
    }
    return
  }
  func.func @transform_0(%arg0: i32, %arg1: i32) -> (i32, i32, i32) {
    %c0_i32 = arith.constant 0 : i32
    %c0_i32_0 = arith.constant 0 : i32
    return %arg0, %c0_i32, %arg1 : i32, i32, i32
  }
  func.func @transform_1(%arg0: i32, %arg1: i32) -> (i32, i32, i32) {
    %c0_i32 = arith.constant 0 : i32
    %c0_i32_0 = arith.constant 0 : i32
    return %arg0, %arg1, %c0_i32 : i32, i32, i32
  }
  func.func @transform_2(%arg0: i32, %arg1: i32) -> (i32, i32) {
    %c0_i32 = arith.constant 0 : i32
    %c0_i32_0 = arith.constant 0 : i32
    %c0_i32_1 = arith.constant 0 : i32
    return %c0_i32, %c0_i32_0 : i32, i32
  }
  func.func @transform_3(%arg0: i32, %arg1: i32) -> (i32, i32) {
    %c0_i32 = arith.constant 0 : i32
    %c0_i32_0 = arith.constant 0 : i32
    %c0_i32_1 = arith.constant 0 : i32
    return %c0_i32, %c0_i32_0 : i32, i32
  }
  func.func @transform_4(%arg0: i32, %arg1: i32) -> (i32, i32) {
    %c0_i32 = arith.constant 0 : i32
    %c0_i32_0 = arith.constant 0 : i32
    %c0_i32_1 = arith.constant 0 : i32
    return %c0_i32, %c0_i32_0 : i32, i32
  }
  func.func @transform_5(%arg0: i32, %arg1: i32) -> (i32, i32, i32) {
    %c0_i32 = arith.constant 0 : i32
    %c0_i32_0 = arith.constant 0 : i32
    return %arg0, %c0_i32, %arg1 : i32, i32, i32
  }
  func.func @transform_6(%arg0: i32, %arg1: i32) -> (i32, i32) {
    %c0_i32 = arith.constant 0 : i32
    %c0_i32_0 = arith.constant 0 : i32
    %c0_i32_1 = arith.constant 0 : i32
    return %c0_i32, %c0_i32_0 : i32, i32
  }
}

module attributes {stable_mosaic.version = 14 : i64} {
  func.func @_layer_body(%arg0: i32, %arg1: i32, %arg2: memref<1x512x512xf32, #tpu.memory_space<vmem>>, %arg3: memref<512x2xf32, #tpu.memory_space<vmem>>, %arg4: memref<512x1xf32, #tpu.memory_space<vmem>>, %arg5: memref<512x1xf32, #tpu.memory_space<vmem>>, %arg6: memref<256x512xf32, #tpu.memory_space<vmem>>, %arg7: memref<256x1xf32, #tpu.memory_space<vmem>>, %arg8: memref<1x256x512xf32, #tpu.memory_space<vmem>>, %arg9: memref<256x2xf32, #tpu.memory_space<vmem>>, %arg10: memref<256x512xf32, #tpu.memory_space<vmem>>, %arg11: memref<256x512xf32, #tpu.memory_space<vmem>>) attributes {dimension_semantics = [#tpu.dimension_semantics<arbitrary>, #tpu.dimension_semantics<arbitrary>], iteration_bounds = array<i64: 8, 8>, scalar_prefetch = 0 : i64, scratch_operands = 2 : i64, tpu.core_type = #tpu.core_type<tc>, window_params = [{transform_indices = @transform_0, window_bounds = array<i64: 1, 512, 512>}, {pipeline_mode = #tpu.pipeline_mode<synchronous>, transform_indices = @transform_1, window_bounds = array<i64: 512, 2>}, {pipeline_mode = #tpu.pipeline_mode<synchronous>, transform_indices = @transform_2, window_bounds = array<i64: 512, 1>}, {pipeline_mode = #tpu.pipeline_mode<synchronous>, transform_indices = @transform_3, window_bounds = array<i64: 512, 1>}, {pipeline_mode = #tpu.pipeline_mode<synchronous>, transform_indices = @transform_4, window_bounds = array<i64: 256, 512>}, {pipeline_mode = #tpu.pipeline_mode<synchronous>, transform_indices = @transform_5, window_bounds = array<i64: 256, 1>}, {transform_indices = @transform_6, window_bounds = array<i64: 1, 256, 512>}, {pipeline_mode = #tpu.pipeline_mode<synchronous>, transform_indices = @transform_7, window_bounds = array<i64: 256, 2>}]} {
    %mul3A = arith.constant 8 : i32
    %mul3A_0 = arith.muli %arg0, %mul3A : i32
    %add3A = arith.addi %mul3A_0, %arg1 : i32
    %get3A = arith.constant 0 : index
    %get3A_1 = arith.constant 0 : index
    %get3A_2 = vector.load %arg3[%get3A, %get3A_1] : memref<512x2xf32, #tpu.memory_space<vmem>>, vector<512x1xf32>
    %mul3A_3 = arith.constant 3.05175781E-5 : f32
    %mul3A_4 = vector.broadcast %mul3A_3 : f32 to vector<512x1xf32>
    %mul3A_5 = arith.mulf %get3A_2, %mul3A_4 : vector<512x1xf32>
    %get3A_6 = arith.constant 0 : index
    %get3A_7 = arith.constant 1 : index
    %get3A_8 = vector.load %arg3[%get3A_6, %get3A_7] : memref<512x2xf32, #tpu.memory_space<vmem>>, vector<512x1xf32>
    %mul3A_9 = arith.constant 3.05175781E-5 : f32
    %mul3A_10 = vector.broadcast %mul3A_9 : f32 to vector<512x1xf32>
    %mul3A_11 = arith.mulf %get3A_8, %mul3A_10 : vector<512x1xf32>
    %mul3A_12 = arith.mulf %mul3A_5, %mul3A_5 : vector<512x1xf32>
    %sub3A = arith.subf %mul3A_11, %mul3A_12 : vector<512x1xf32>
    %get3A_13 = arith.constant 0 : index
    %get3A_14 = arith.constant 0 : index
    %get3A_15 = vector.load %arg4[%get3A_13, %get3A_14] : memref<512x1xf32, #tpu.memory_space<vmem>>, vector<512x1xf32>
    %add3A_16 = arith.constant 9.99999974E-6 : f32
    %add3A_17 = vector.broadcast %add3A_16 : f32 to vector<512x1xf32>
    %add3A_18 = arith.addf %sub3A, %add3A_17 : vector<512x1xf32>
    %rsqrt3A = math.rsqrt %add3A_18 : vector<512x1xf32>
    %mul3A_19 = arith.mulf %get3A_15, %rsqrt3A : vector<512x1xf32>
    %get3A_20 = arith.constant 0 : index
    %get3A_21 = arith.constant 0 : index
    %get3A_22 = vector.load %arg5[%get3A_20, %get3A_21] : memref<512x1xf32, #tpu.memory_space<vmem>>, vector<512x1xf32>
    %mul3A_23 = arith.mulf %mul3A_19, %mul3A_5 : vector<512x1xf32>
    %sub3A_24 = arith.subf %get3A_22, %mul3A_23 : vector<512x1xf32>
    %get3A_25 = arith.constant 0 : index
    %get3A_26 = arith.constant 0 : index
    %get3A_27 = arith.constant 0 : index
    %get3A_28 = vector.load %arg2[%get3A_25, %get3A_26, %get3A_27] : memref<1x512x512xf32, #tpu.memory_space<vmem>>, vector<1x512x512xf32>
    %get3A_29 = vector.shape_cast %get3A_28 : vector<1x512x512xf32> to vector<512x512xf32>
    %mul3A_30 = vector.broadcast %mul3A_19 : vector<512x1xf32> to vector<512x512xf32>
    %mul3A_31 = arith.mulf %mul3A_30, %get3A_29 : vector<512x512xf32>
    %add3A_32 = vector.broadcast %sub3A_24 : vector<512x1xf32> to vector<512x512xf32>
    %add3A_33 = arith.addf %mul3A_31, %add3A_32 : vector<512x512xf32>
    %max3A = arith.constant 0.000000e+00 : f32
    %max3A_34 = vector.broadcast %max3A : f32 to vector<512x512xf32>
    %max3A_35 = arith.maximumf %add3A_33, %max3A_34 : vector<512x512xf32>
    %get3A_36 = arith.constant 0 : index
    %get3A_37 = arith.constant 0 : index
    %get3A_38 = vector.load %arg6[%get3A_36, %get3A_37] : memref<256x512xf32, #tpu.memory_space<vmem>>, vector<256x512xf32>
    %dot_general3A = arith.constant dense<0.000000e+00> : vector<256x512xf32>
    %dot_general3A_39 = tpu.matmul %get3A_38, %max3A_35, %dot_general3A {dimension_numbers = #tpu.dot_dimension_numbers<[1], [0], [0], [1], [0, 0, 1, 1], [], []>, transpose_lhs_hint = false} : vector<256x512xf32>, vector<512x512xf32>, vector<256x512xf32> -> vector<256x512xf32>
    %get3A_40 = arith.constant 0 : index
    %get3A_41 = arith.constant 0 : index
    %get3A_42 = vector.load %arg7[%get3A_40, %get3A_41] : memref<256x1xf32, #tpu.memory_space<vmem>>, vector<256x1xf32>
    %add3A_43 = vector.broadcast %get3A_42 : vector<256x1xf32> to vector<256x512xf32>
    %add3A_44 = arith.addf %dot_general3A_39, %add3A_43 : vector<256x512xf32>
    %swap3A = arith.constant 0 : index
    %swap3A_45 = arith.constant 0 : index
    %swap3A_46 = arith.constant 0 : index
    %swap3A_47 = vector.load %arg8[%swap3A, %swap3A_45, %swap3A_46] : memref<1x256x512xf32, #tpu.memory_space<vmem>>, vector<1x256x512xf32>
    %swap3A_48 = vector.shape_cast %swap3A_47 : vector<1x256x512xf32> to vector<256x512xf32>
    %swap3A_49 = vector.shape_cast %add3A_44 : vector<256x512xf32> to vector<1x256x512xf32>
    tpu.vector_store %arg8[%swap3A, %swap3A_45, %swap3A_46], %swap3A_49 {strides = array<i32>} : memref<1x256x512xf32, #tpu.memory_space<vmem>>, vector<1x256x512xf32>,
    %eq3A = arith.constant 0 : i32
    %eq3A_50 = arith.cmpi eq, %add3A, %eq3A : i32
    %convert_element_type3A = arith.extui %eq3A_50 : i1 to i32
    %cond3A = arith.constant 0 : i32
    %cond3A_51 = arith.cmpi ne, %convert_element_type3A, %cond3A : i32
    scf.if %cond3A_51 {
      %swap3A_61 = arith.constant 0 : index
      %swap3A_62 = arith.constant 0 : index
      %swap3A_63 = vector.load %arg10[%swap3A_61, %swap3A_62] : memref<256x512xf32, #tpu.memory_space<vmem>>, vector<256x512xf32>
      tpu.vector_store %arg10[%swap3A_61, %swap3A_62], %add3A_44 {strides = array<i32>} : memref<256x512xf32, #tpu.memory_space<vmem>>, vector<256x512xf32>,
      %mul3A_64 = arith.mulf %add3A_44, %add3A_44 : vector<256x512xf32>
      %swap3A_65 = arith.constant 0 : index
      %swap3A_66 = arith.constant 0 : index
      %swap3A_67 = vector.load %arg11[%swap3A_65, %swap3A_66] : memref<256x512xf32, #tpu.memory_space<vmem>>, vector<256x512xf32>
      tpu.vector_store %arg11[%swap3A_65, %swap3A_66], %mul3A_64 {strides = array<i32>} : memref<256x512xf32, #tpu.memory_space<vmem>>, vector<256x512xf32>,
    } else {
    }
    %ne3A = arith.constant 0 : i32
    %ne3A_52 = arith.cmpi ne, %add3A, %ne3A : i32
    %convert_element_type3A_53 = arith.extui %ne3A_52 : i1 to i32
    %cond3A_54 = arith.constant 0 : i32
    %cond3A_55 = arith.cmpi ne, %convert_element_type3A_53, %cond3A_54 : i32
    scf.if %cond3A_55 {
      %get3A_61 = arith.constant 0 : index
      %get3A_62 = arith.constant 0 : index
      %get3A_63 = vector.load %arg10[%get3A_61, %get3A_62] : memref<256x512xf32, #tpu.memory_space<vmem>>, vector<256x512xf32>
      %add3A_64 = arith.addf %get3A_63, %add3A_44 : vector<256x512xf32>
      %swap3A_65 = arith.constant 0 : index
      %swap3A_66 = arith.constant 0 : index
      %swap3A_67 = vector.load %arg10[%swap3A_65, %swap3A_66] : memref<256x512xf32, #tpu.memory_space<vmem>>, vector<256x512xf32>
      tpu.vector_store %arg10[%swap3A_65, %swap3A_66], %add3A_64 {strides = array<i32>} : memref<256x512xf32, #tpu.memory_space<vmem>>, vector<256x512xf32>,
      %get3A_68 = arith.constant 0 : index
      %get3A_69 = arith.constant 0 : index
      %get3A_70 = vector.load %arg11[%get3A_68, %get3A_69] : memref<256x512xf32, #tpu.memory_space<vmem>>, vector<256x512xf32>
      %mul3A_71 = arith.mulf %add3A_44, %add3A_44 : vector<256x512xf32>
      %add3A_72 = arith.addf %get3A_70, %mul3A_71 : vector<256x512xf32>
      %swap3A_73 = arith.constant 0 : index
      %swap3A_74 = arith.constant 0 : index
      %swap3A_75 = vector.load %arg11[%swap3A_73, %swap3A_74] : memref<256x512xf32, #tpu.memory_space<vmem>>, vector<256x512xf32>
      tpu.vector_store %arg11[%swap3A_73, %swap3A_74], %add3A_72 {strides = array<i32>} : memref<256x512xf32, #tpu.memory_space<vmem>>, vector<256x512xf32>,
    } else {
    }
    %eq3A_56 = arith.constant 63 : i32
    %eq3A_57 = arith.cmpi eq, %add3A, %eq3A_56 : i32
    %convert_element_type3A_58 = arith.extui %eq3A_57 : i1 to i32
    %cond3A_59 = arith.constant 0 : i32
    %cond3A_60 = arith.cmpi ne, %convert_element_type3A_58, %cond3A_59 : i32
    scf.if %cond3A_60 {
      %get3A_61 = arith.constant 0 : index
      %get3A_62 = arith.constant 0 : index
      %get3A_63 = vector.load %arg10[%get3A_61, %get3A_62] : memref<256x512xf32, #tpu.memory_space<vmem>>, vector<256x512xf32>
      %reduce_sum3A = arith.constant dense<0.000000e+00> : vector<256xf32>
      %reduce_sum3A_64 = vector.multi_reduction <add>, %get3A_63, %reduce_sum3A [1] : vector<256x512xf32> to vector<256xf32>
      %broadcast_in_dim3A = vector.shape_cast %reduce_sum3A_64 : vector<256xf32> to vector<256x1xf32>
      %swap3A_65 = arith.constant 0 : index
      %swap3A_66 = arith.constant 0 : index
      %swap3A_67 = vector.load %arg9[%swap3A_65, %swap3A_66] : memref<256x2xf32, #tpu.memory_space<vmem>>, vector<256x1xf32>
      tpu.vector_store %arg9[%swap3A_65, %swap3A_66], %broadcast_in_dim3A {strides = array<i32>} : memref<256x2xf32, #tpu.memory_space<vmem>>, vector<256x1xf32>,
      %get3A_68 = arith.constant 0 : index
      %get3A_69 = arith.constant 0 : index
      %get3A_70 = vector.load %arg11[%get3A_68, %get3A_69] : memref<256x512xf32, #tpu.memory_space<vmem>>, vector<256x512xf32>
      %reduce_sum3A_71 = arith.constant dense<0.000000e+00> : vector<256xf32>
      %reduce_sum3A_72 = vector.multi_reduction <add>, %get3A_70, %reduce_sum3A_71 [1] : vector<256x512xf32> to vector<256xf32>
      %broadcast_in_dim3A_73 = vector.shape_cast %reduce_sum3A_72 : vector<256xf32> to vector<256x1xf32>
      %swap3A_74 = arith.constant 0 : index
      %swap3A_75 = arith.constant 1 : index
      %swap3A_76 = vector.load %arg9[%swap3A_74, %swap3A_75] : memref<256x2xf32, #tpu.memory_space<vmem>>, vector<256x1xf32>
      tpu.vector_store %arg9[%swap3A_74, %swap3A_75], %broadcast_in_dim3A_73 {strides = array<i32>} : memref<256x2xf32, #tpu.memory_space<vmem>>, vector<256x1xf32>,
    } else {
    }
    return
  }
  func.func @transform_0(%arg0: i32, %arg1: i32) -> (i32, i32, i32) {
    %c0_i32 = arith.constant 0 : i32
    %c0_i32_0 = arith.constant 0 : i32
    return %arg0, %c0_i32, %arg1 : i32, i32, i32
  }
  func.func @transform_1(%arg0: i32, %arg1: i32) -> (i32, i32) {
    %c0_i32 = arith.constant 0 : i32
    %c0_i32_0 = arith.constant 0 : i32
    %c0_i32_1 = arith.constant 0 : i32
    return %c0_i32, %c0_i32_0 : i32, i32
  }
  func.func @transform_2(%arg0: i32, %arg1: i32) -> (i32, i32) {
    %c0_i32 = arith.constant 0 : i32
    %c0_i32_0 = arith.constant 0 : i32
    %c0_i32_1 = arith.constant 0 : i32
    return %c0_i32, %c0_i32_0 : i32, i32
  }
  func.func @transform_3(%arg0: i32, %arg1: i32) -> (i32, i32) {
    %c0_i32 = arith.constant 0 : i32
    %c0_i32_0 = arith.constant 0 : i32
    %c0_i32_1 = arith.constant 0 : i32
    return %c0_i32, %c0_i32_0 : i32, i32
  }
  func.func @transform_4(%arg0: i32, %arg1: i32) -> (i32, i32) {
    %c0_i32 = arith.constant 0 : i32
    %c0_i32_0 = arith.constant 0 : i32
    %c0_i32_1 = arith.constant 0 : i32
    return %c0_i32, %c0_i32_0 : i32, i32
  }
  func.func @transform_5(%arg0: i32, %arg1: i32) -> (i32, i32) {
    %c0_i32 = arith.constant 0 : i32
    %c0_i32_0 = arith.constant 0 : i32
    %c0_i32_1 = arith.constant 0 : i32
    return %c0_i32, %c0_i32_0 : i32, i32
  }
  func.func @transform_6(%arg0: i32, %arg1: i32) -> (i32, i32, i32) {
    %c0_i32 = arith.constant 0 : i32
    %c0_i32_0 = arith.constant 0 : i32
    return %arg0, %c0_i32, %arg1 : i32, i32, i32
  }
  func.func @transform_7(%arg0: i32, %arg1: i32) -> (i32, i32) {
    %c0_i32 = arith.constant 0 : i32
    %c0_i32_0 = arith.constant 0 : i32
    %c0_i32_1 = arith.constant 0 : i32
    return %c0_i32, %c0_i32_0 : i32, i32
  }
}

module attributes {stable_mosaic.version = 14 : i64} {
  func.func @_layer_body(%arg0: i32, %arg1: i32, %arg2: memref<1x512x512xf32, #tpu.memory_space<vmem>>, %arg3: memref<512x2xf32, #tpu.memory_space<vmem>>, %arg4: memref<512x1xf32, #tpu.memory_space<vmem>>, %arg5: memref<512x1xf32, #tpu.memory_space<vmem>>, %arg6: memref<512x512xf32, #tpu.memory_space<vmem>>, %arg7: memref<512x1xf32, #tpu.memory_space<vmem>>, %arg8: memref<1x512x512xf32, #tpu.memory_space<vmem>>, %arg9: memref<512x2xf32, #tpu.memory_space<vmem>>, %arg10: memref<512x512xf32, #tpu.memory_space<vmem>>, %arg11: memref<512x512xf32, #tpu.memory_space<vmem>>) attributes {dimension_semantics = [#tpu.dimension_semantics<arbitrary>, #tpu.dimension_semantics<arbitrary>], iteration_bounds = array<i64: 8, 8>, scalar_prefetch = 0 : i64, scratch_operands = 2 : i64, tpu.core_type = #tpu.core_type<tc>, window_params = [{transform_indices = @transform_0, window_bounds = array<i64: 1, 512, 512>}, {pipeline_mode = #tpu.pipeline_mode<synchronous>, transform_indices = @transform_1, window_bounds = array<i64: 512, 2>}, {pipeline_mode = #tpu.pipeline_mode<synchronous>, transform_indices = @transform_2, window_bounds = array<i64: 512, 1>}, {pipeline_mode = #tpu.pipeline_mode<synchronous>, transform_indices = @transform_3, window_bounds = array<i64: 512, 1>}, {pipeline_mode = #tpu.pipeline_mode<synchronous>, transform_indices = @transform_4, window_bounds = array<i64: 512, 512>}, {pipeline_mode = #tpu.pipeline_mode<synchronous>, transform_indices = @transform_5, window_bounds = array<i64: 512, 1>}, {transform_indices = @transform_6, window_bounds = array<i64: 1, 512, 512>}, {pipeline_mode = #tpu.pipeline_mode<synchronous>, transform_indices = @transform_7, window_bounds = array<i64: 512, 2>}]} {
    %mul3A = arith.constant 8 : i32
    %mul3A_0 = arith.muli %arg0, %mul3A : i32
    %add3A = arith.addi %mul3A_0, %arg1 : i32
    %get3A = arith.constant 0 : index
    %get3A_1 = arith.constant 0 : index
    %get3A_2 = vector.load %arg3[%get3A, %get3A_1] : memref<512x2xf32, #tpu.memory_space<vmem>>, vector<512x1xf32>
    %mul3A_3 = arith.constant 3.05175781E-5 : f32
    %mul3A_4 = vector.broadcast %mul3A_3 : f32 to vector<512x1xf32>
    %mul3A_5 = arith.mulf %get3A_2, %mul3A_4 : vector<512x1xf32>
    %get3A_6 = arith.constant 0 : index
    %get3A_7 = arith.constant 1 : index
    %get3A_8 = vector.load %arg3[%get3A_6, %get3A_7] : memref<512x2xf32, #tpu.memory_space<vmem>>, vector<512x1xf32>
    %mul3A_9 = arith.constant 3.05175781E-5 : f32
    %mul3A_10 = vector.broadcast %mul3A_9 : f32 to vector<512x1xf32>
    %mul3A_11 = arith.mulf %get3A_8, %mul3A_10 : vector<512x1xf32>
    %mul3A_12 = arith.mulf %mul3A_5, %mul3A_5 : vector<512x1xf32>
    %sub3A = arith.subf %mul3A_11, %mul3A_12 : vector<512x1xf32>
    %get3A_13 = arith.constant 0 : index
    %get3A_14 = arith.constant 0 : index
    %get3A_15 = vector.load %arg4[%get3A_13, %get3A_14] : memref<512x1xf32, #tpu.memory_space<vmem>>, vector<512x1xf32>
    %add3A_16 = arith.constant 9.99999974E-6 : f32
    %add3A_17 = vector.broadcast %add3A_16 : f32 to vector<512x1xf32>
    %add3A_18 = arith.addf %sub3A, %add3A_17 : vector<512x1xf32>
    %rsqrt3A = math.rsqrt %add3A_18 : vector<512x1xf32>
    %mul3A_19 = arith.mulf %get3A_15, %rsqrt3A : vector<512x1xf32>
    %get3A_20 = arith.constant 0 : index
    %get3A_21 = arith.constant 0 : index
    %get3A_22 = vector.load %arg5[%get3A_20, %get3A_21] : memref<512x1xf32, #tpu.memory_space<vmem>>, vector<512x1xf32>
    %mul3A_23 = arith.mulf %mul3A_19, %mul3A_5 : vector<512x1xf32>
    %sub3A_24 = arith.subf %get3A_22, %mul3A_23 : vector<512x1xf32>
    %get3A_25 = arith.constant 0 : index
    %get3A_26 = arith.constant 0 : index
    %get3A_27 = arith.constant 0 : index
    %get3A_28 = vector.load %arg2[%get3A_25, %get3A_26, %get3A_27] : memref<1x512x512xf32, #tpu.memory_space<vmem>>, vector<1x512x512xf32>
    %get3A_29 = vector.shape_cast %get3A_28 : vector<1x512x512xf32> to vector<512x512xf32>
    %mul3A_30 = vector.broadcast %mul3A_19 : vector<512x1xf32> to vector<512x512xf32>
    %mul3A_31 = arith.mulf %mul3A_30, %get3A_29 : vector<512x512xf32>
    %add3A_32 = vector.broadcast %sub3A_24 : vector<512x1xf32> to vector<512x512xf32>
    %add3A_33 = arith.addf %mul3A_31, %add3A_32 : vector<512x512xf32>
    %max3A = arith.constant 0.000000e+00 : f32
    %max3A_34 = vector.broadcast %max3A : f32 to vector<512x512xf32>
    %max3A_35 = arith.maximumf %add3A_33, %max3A_34 : vector<512x512xf32>
    %get3A_36 = arith.constant 0 : index
    %get3A_37 = arith.constant 0 : index
    %get3A_38 = vector.load %arg6[%get3A_36, %get3A_37] : memref<512x512xf32, #tpu.memory_space<vmem>>, vector<512x512xf32>
    %dot_general3A = arith.constant dense<0.000000e+00> : vector<512x512xf32>
    %dot_general3A_39 = tpu.matmul %get3A_38, %max3A_35, %dot_general3A {dimension_numbers = #tpu.dot_dimension_numbers<[1], [0], [0], [1], [0, 0, 1, 1], [], []>, transpose_lhs_hint = false} : vector<512x512xf32>, vector<512x512xf32>, vector<512x512xf32> -> vector<512x512xf32>
    %get3A_40 = arith.constant 0 : index
    %get3A_41 = arith.constant 0 : index
    %get3A_42 = vector.load %arg7[%get3A_40, %get3A_41] : memref<512x1xf32, #tpu.memory_space<vmem>>, vector<512x1xf32>
    %add3A_43 = vector.broadcast %get3A_42 : vector<512x1xf32> to vector<512x512xf32>
    %add3A_44 = arith.addf %dot_general3A_39, %add3A_43 : vector<512x512xf32>
    %swap3A = arith.constant 0 : index
    %swap3A_45 = arith.constant 0 : index
    %swap3A_46 = arith.constant 0 : index
    %swap3A_47 = vector.load %arg8[%swap3A, %swap3A_45, %swap3A_46] : memref<1x512x512xf32, #tpu.memory_space<vmem>>, vector<1x512x512xf32>
    %swap3A_48 = vector.shape_cast %swap3A_47 : vector<1x512x512xf32> to vector<512x512xf32>
    %swap3A_49 = vector.shape_cast %add3A_44 : vector<512x512xf32> to vector<1x512x512xf32>
    tpu.vector_store %arg8[%swap3A, %swap3A_45, %swap3A_46], %swap3A_49 {strides = array<i32>} : memref<1x512x512xf32, #tpu.memory_space<vmem>>, vector<1x512x512xf32>,
    %eq3A = arith.constant 0 : i32
    %eq3A_50 = arith.cmpi eq, %add3A, %eq3A : i32
    %convert_element_type3A = arith.extui %eq3A_50 : i1 to i32
    %cond3A = arith.constant 0 : i32
    %cond3A_51 = arith.cmpi ne, %convert_element_type3A, %cond3A : i32
    scf.if %cond3A_51 {
      %swap3A_61 = arith.constant 0 : index
      %swap3A_62 = arith.constant 0 : index
      %swap3A_63 = vector.load %arg10[%swap3A_61, %swap3A_62] : memref<512x512xf32, #tpu.memory_space<vmem>>, vector<512x512xf32>
      tpu.vector_store %arg10[%swap3A_61, %swap3A_62], %add3A_44 {strides = array<i32>} : memref<512x512xf32, #tpu.memory_space<vmem>>, vector<512x512xf32>,
      %mul3A_64 = arith.mulf %add3A_44, %add3A_44 : vector<512x512xf32>
      %swap3A_65 = arith.constant 0 : index
      %swap3A_66 = arith.constant 0 : index
      %swap3A_67 = vector.load %arg11[%swap3A_65, %swap3A_66] : memref<512x512xf32, #tpu.memory_space<vmem>>, vector<512x512xf32>
      tpu.vector_store %arg11[%swap3A_65, %swap3A_66], %mul3A_64 {strides = array<i32>} : memref<512x512xf32, #tpu.memory_space<vmem>>, vector<512x512xf32>,
    } else {
    }
    %ne3A = arith.constant 0 : i32
    %ne3A_52 = arith.cmpi ne, %add3A, %ne3A : i32
    %convert_element_type3A_53 = arith.extui %ne3A_52 : i1 to i32
    %cond3A_54 = arith.constant 0 : i32
    %cond3A_55 = arith.cmpi ne, %convert_element_type3A_53, %cond3A_54 : i32
    scf.if %cond3A_55 {
      %get3A_61 = arith.constant 0 : index
      %get3A_62 = arith.constant 0 : index
      %get3A_63 = vector.load %arg10[%get3A_61, %get3A_62] : memref<512x512xf32, #tpu.memory_space<vmem>>, vector<512x512xf32>
      %add3A_64 = arith.addf %get3A_63, %add3A_44 : vector<512x512xf32>
      %swap3A_65 = arith.constant 0 : index
      %swap3A_66 = arith.constant 0 : index
      %swap3A_67 = vector.load %arg10[%swap3A_65, %swap3A_66] : memref<512x512xf32, #tpu.memory_space<vmem>>, vector<512x512xf32>
      tpu.vector_store %arg10[%swap3A_65, %swap3A_66], %add3A_64 {strides = array<i32>} : memref<512x512xf32, #tpu.memory_space<vmem>>, vector<512x512xf32>,
      %get3A_68 = arith.constant 0 : index
      %get3A_69 = arith.constant 0 : index
      %get3A_70 = vector.load %arg11[%get3A_68, %get3A_69] : memref<512x512xf32, #tpu.memory_space<vmem>>, vector<512x512xf32>
      %mul3A_71 = arith.mulf %add3A_44, %add3A_44 : vector<512x512xf32>
      %add3A_72 = arith.addf %get3A_70, %mul3A_71 : vector<512x512xf32>
      %swap3A_73 = arith.constant 0 : index
      %swap3A_74 = arith.constant 0 : index
      %swap3A_75 = vector.load %arg11[%swap3A_73, %swap3A_74] : memref<512x512xf32, #tpu.memory_space<vmem>>, vector<512x512xf32>
      tpu.vector_store %arg11[%swap3A_73, %swap3A_74], %add3A_72 {strides = array<i32>} : memref<512x512xf32, #tpu.memory_space<vmem>>, vector<512x512xf32>,
    } else {
    }
    %eq3A_56 = arith.constant 63 : i32
    %eq3A_57 = arith.cmpi eq, %add3A, %eq3A_56 : i32
    %convert_element_type3A_58 = arith.extui %eq3A_57 : i1 to i32
    %cond3A_59 = arith.constant 0 : i32
    %cond3A_60 = arith.cmpi ne, %convert_element_type3A_58, %cond3A_59 : i32
    scf.if %cond3A_60 {
      %get3A_61 = arith.constant 0 : index
      %get3A_62 = arith.constant 0 : index
      %get3A_63 = vector.load %arg10[%get3A_61, %get3A_62] : memref<512x512xf32, #tpu.memory_space<vmem>>, vector<512x512xf32>
      %reduce_sum3A = arith.constant dense<0.000000e+00> : vector<512xf32>
      %reduce_sum3A_64 = vector.multi_reduction <add>, %get3A_63, %reduce_sum3A [1] : vector<512x512xf32> to vector<512xf32>
      %broadcast_in_dim3A = vector.shape_cast %reduce_sum3A_64 : vector<512xf32> to vector<512x1xf32>
      %swap3A_65 = arith.constant 0 : index
      %swap3A_66 = arith.constant 0 : index
      %swap3A_67 = vector.load %arg9[%swap3A_65, %swap3A_66] : memref<512x2xf32, #tpu.memory_space<vmem>>, vector<512x1xf32>
      tpu.vector_store %arg9[%swap3A_65, %swap3A_66], %broadcast_in_dim3A {strides = array<i32>} : memref<512x2xf32, #tpu.memory_space<vmem>>, vector<512x1xf32>,
      %get3A_68 = arith.constant 0 : index
      %get3A_69 = arith.constant 0 : index
      %get3A_70 = vector.load %arg11[%get3A_68, %get3A_69] : memref<512x512xf32, #tpu.memory_space<vmem>>, vector<512x512xf32>
      %reduce_sum3A_71 = arith.constant dense<0.000000e+00> : vector<512xf32>
      %reduce_sum3A_72 = vector.multi_reduction <add>, %get3A_70, %reduce_sum3A_71 [1] : vector<512x512xf32> to vector<512xf32>
      %broadcast_in_dim3A_73 = vector.shape_cast %reduce_sum3A_72 : vector<512xf32> to vector<512x1xf32>
      %swap3A_74 = arith.constant 0 : index
      %swap3A_75 = arith.constant 1 : index
      %swap3A_76 = vector.load %arg9[%swap3A_74, %swap3A_75] : memref<512x2xf32, #tpu.memory_space<vmem>>, vector<512x1xf32>
      tpu.vector_store %arg9[%swap3A_74, %swap3A_75], %broadcast_in_dim3A_73 {strides = array<i32>} : memref<512x2xf32, #tpu.memory_space<vmem>>, vector<512x1xf32>,
    } else {
    }
    return
  }
  func.func @transform_0(%arg0: i32, %arg1: i32) -> (i32, i32, i32) {
    %c0_i32 = arith.constant 0 : i32
    %c0_i32_0 = arith.constant 0 : i32
    return %arg0, %c0_i32, %arg1 : i32, i32, i32
  }
  func.func @transform_1(%arg0: i32, %arg1: i32) -> (i32, i32) {
    %c0_i32 = arith.constant 0 : i32
    %c0_i32_0 = arith.constant 0 : i32
    %c0_i32_1 = arith.constant 0 : i32
    return %c0_i32, %c0_i32_0 : i32, i32
  }
  func.func @transform_2(%arg0: i32, %arg1: i32) -> (i32, i32) {
    %c0_i32 = arith.constant 0 : i32
    %c0_i32_0 = arith.constant 0 : i32
    %c0_i32_1 = arith.constant 0 : i32
    return %c0_i32, %c0_i32_0 : i32, i32
  }
  func.func @transform_3(%arg0: i32, %arg1: i32) -> (i32, i32) {
    %c0_i32 = arith.constant 0 : i32
    %c0_i32_0 = arith.constant 0 : i32
    %c0_i32_1 = arith.constant 0 : i32
    return %c0_i32, %c0_i32_0 : i32, i32
  }
  func.func @transform_4(%arg0: i32, %arg1: i32) -> (i32, i32) {
    %c0_i32 = arith.constant 0 : i32
    %c0_i32_0 = arith.constant 0 : i32
    %c0_i32_1 = arith.constant 0 : i32
    return %c0_i32, %c0_i32_0 : i32, i32
  }
  func.func @transform_5(%arg0: i32, %arg1: i32) -> (i32, i32) {
    %c0_i32 = arith.constant 0 : i32
    %c0_i32_0 = arith.constant 0 : i32
    %c0_i32_1 = arith.constant 0 : i32
    return %c0_i32, %c0_i32_0 : i32, i32
  }
  func.func @transform_6(%arg0: i32, %arg1: i32) -> (i32, i32, i32) {
    %c0_i32 = arith.constant 0 : i32
    %c0_i32_0 = arith.constant 0 : i32
    return %arg0, %c0_i32, %arg1 : i32, i32, i32
  }
  func.func @transform_7(%arg0: i32, %arg1: i32) -> (i32, i32) {
    %c0_i32 = arith.constant 0 : i32
    %c0_i32_0 = arith.constant 0 : i32
    %c0_i32_1 = arith.constant 0 : i32
    return %c0_i32, %c0_i32_0 : i32, i32
  }
}

module attributes {stable_mosaic.version = 14 : i64} {
  func.func @_final_body(%arg0: i32, %arg1: i32, %arg2: memref<1x256x512xf32, #tpu.memory_space<vmem>>, %arg3: memref<256x2xf32, #tpu.memory_space<vmem>>, %arg4: memref<256x1xf32, #tpu.memory_space<vmem>>, %arg5: memref<256x1xf32, #tpu.memory_space<vmem>>, %arg6: memref<1x256x512xf32, #tpu.memory_space<vmem>>) attributes {dimension_semantics = [#tpu.dimension_semantics<arbitrary>, #tpu.dimension_semantics<arbitrary>], iteration_bounds = array<i64: 8, 8>, scalar_prefetch = 0 : i64, scratch_operands = 0 : i64, tpu.core_type = #tpu.core_type<tc>, window_params = [{transform_indices = @transform_0, window_bounds = array<i64: 1, 256, 512>}, {pipeline_mode = #tpu.pipeline_mode<synchronous>, transform_indices = @transform_1, window_bounds = array<i64: 256, 2>}, {pipeline_mode = #tpu.pipeline_mode<synchronous>, transform_indices = @transform_2, window_bounds = array<i64: 256, 1>}, {pipeline_mode = #tpu.pipeline_mode<synchronous>, transform_indices = @transform_3, window_bounds = array<i64: 256, 1>}, {transform_indices = @transform_4, window_bounds = array<i64: 1, 256, 512>}]} {
    %get3A = arith.constant 0 : index
    %get3A_0 = arith.constant 0 : index
    %get3A_1 = vector.load %arg3[%get3A, %get3A_0] : memref<256x2xf32, #tpu.memory_space<vmem>>, vector<256x1xf32>
    %mul3A = arith.constant 3.05175781E-5 : f32
    %mul3A_2 = vector.broadcast %mul3A : f32 to vector<256x1xf32>
    %mul3A_3 = arith.mulf %get3A_1, %mul3A_2 : vector<256x1xf32>
    %get3A_4 = arith.constant 0 : index
    %get3A_5 = arith.constant 1 : index
    %get3A_6 = vector.load %arg3[%get3A_4, %get3A_5] : memref<256x2xf32, #tpu.memory_space<vmem>>, vector<256x1xf32>
    %mul3A_7 = arith.constant 3.05175781E-5 : f32
    %mul3A_8 = vector.broadcast %mul3A_7 : f32 to vector<256x1xf32>
    %mul3A_9 = arith.mulf %get3A_6, %mul3A_8 : vector<256x1xf32>
    %mul3A_10 = arith.mulf %mul3A_3, %mul3A_3 : vector<256x1xf32>
    %sub3A = arith.subf %mul3A_9, %mul3A_10 : vector<256x1xf32>
    %get3A_11 = arith.constant 0 : index
    %get3A_12 = arith.constant 0 : index
    %get3A_13 = vector.load %arg4[%get3A_11, %get3A_12] : memref<256x1xf32, #tpu.memory_space<vmem>>, vector<256x1xf32>
    %add3A = arith.constant 9.99999974E-6 : f32
    %add3A_14 = vector.broadcast %add3A : f32 to vector<256x1xf32>
    %add3A_15 = arith.addf %sub3A, %add3A_14 : vector<256x1xf32>
    %rsqrt3A = math.rsqrt %add3A_15 : vector<256x1xf32>
    %mul3A_16 = arith.mulf %get3A_13, %rsqrt3A : vector<256x1xf32>
    %get3A_17 = arith.constant 0 : index
    %get3A_18 = arith.constant 0 : index
    %get3A_19 = vector.load %arg5[%get3A_17, %get3A_18] : memref<256x1xf32, #tpu.memory_space<vmem>>, vector<256x1xf32>
    %mul3A_20 = arith.mulf %mul3A_16, %mul3A_3 : vector<256x1xf32>
    %sub3A_21 = arith.subf %get3A_19, %mul3A_20 : vector<256x1xf32>
    %get3A_22 = arith.constant 0 : index
    %get3A_23 = arith.constant 0 : index
    %get3A_24 = arith.constant 0 : index
    %get3A_25 = vector.load %arg2[%get3A_22, %get3A_23, %get3A_24] : memref<1x256x512xf32, #tpu.memory_space<vmem>>, vector<1x256x512xf32>
    %get3A_26 = vector.shape_cast %get3A_25 : vector<1x256x512xf32> to vector<256x512xf32>
    %mul3A_27 = vector.broadcast %mul3A_16 : vector<256x1xf32> to vector<256x512xf32>
    %mul3A_28 = arith.mulf %mul3A_27, %get3A_26 : vector<256x512xf32>
    %add3A_29 = vector.broadcast %sub3A_21 : vector<256x1xf32> to vector<256x512xf32>
    %add3A_30 = arith.addf %mul3A_28, %add3A_29 : vector<256x512xf32>
    %max3A = arith.constant 0.000000e+00 : f32
    %max3A_31 = vector.broadcast %max3A : f32 to vector<256x512xf32>
    %max3A_32 = arith.maximumf %add3A_30, %max3A_31 : vector<256x512xf32>
    %swap3A = arith.constant 0 : index
    %swap3A_33 = arith.constant 0 : index
    %swap3A_34 = arith.constant 0 : index
    %swap3A_35 = vector.load %arg6[%swap3A, %swap3A_33, %swap3A_34] : memref<1x256x512xf32, #tpu.memory_space<vmem>>, vector<1x256x512xf32>
    %swap3A_36 = vector.shape_cast %swap3A_35 : vector<1x256x512xf32> to vector<256x512xf32>
    %swap3A_37 = vector.shape_cast %max3A_32 : vector<256x512xf32> to vector<1x256x512xf32>
    tpu.vector_store %arg6[%swap3A, %swap3A_33, %swap3A_34], %swap3A_37 {strides = array<i32>} : memref<1x256x512xf32, #tpu.memory_space<vmem>>, vector<1x256x512xf32>,
    return
  }
  func.func @transform_0(%arg0: i32, %arg1: i32) -> (i32, i32, i32) {
    %c0_i32 = arith.constant 0 : i32
    %c0_i32_0 = arith.constant 0 : i32
    return %arg0, %c0_i32, %arg1 : i32, i32, i32
  }
  func.func @transform_1(%arg0: i32, %arg1: i32) -> (i32, i32) {
    %c0_i32 = arith.constant 0 : i32
    %c0_i32_0 = arith.constant 0 : i32
    %c0_i32_1 = arith.constant 0 : i32
    return %c0_i32, %c0_i32_0 : i32, i32
  }
  func.func @transform_2(%arg0: i32, %arg1: i32) -> (i32, i32) {
    %c0_i32 = arith.constant 0 : i32
    %c0_i32_0 = arith.constant 0 : i32
    %c0_i32_1 = arith.constant 0 : i32
    return %c0_i32, %c0_i32_0 : i32, i32
  }
  func.func @transform_3(%arg0: i32, %arg1: i32) -> (i32, i32) {
    %c0_i32 = arith.constant 0 : i32
    %c0_i32_0 = arith.constant 0 : i32
    %c0_i32_1 = arith.constant 0 : i32
    return %c0_i32, %c0_i32_0 : i32, i32
  }
  func.func @transform_4(%arg0: i32, %arg1: i32) -> (i32, i32, i32) {
    %c0_i32 = arith.constant 0 : i32
    %c0_i32_0 = arith.constant 0 : i32
    return %arg0, %c0_i32, %arg1 : i32, i32, i32
  }
}

</mosaic_0001>

<sc_bundles>
// kernel: kernel.8.cloned.1.call-start
scs
__scs_entry_jumppad:
0x0: {  	(pc) =	sbr.rel $0x88, $3  }
0x1: {  	(tag) =	ssettag $0x0;
	lr =	simm.s32 $0x1  }
0x2: {  	[smem:$0x3F91] =	sst lr;
	_ =	strace $0xD0000000  }
0x3: {  	_ = 	snop  }
0x4: {  	_ = 	snop  }
0x5: {  	_ = 	snop  }
0x6: {  	_ = 	snop  }
0x7: {  	_ = 	snop  }
__scs_overlays_trampoline_lowered:
0x8: {  	[smem:$0x3FA0] =	sst s0  }
0x9: {  	[smem:$0x3FA1] =	sst s1  }
0xa: {  	[smem:$0x3FA2] =	sst s2  }
0xb: {  	[smem:$0x3FA3] =	sst s3  }
0xc: {  	[smem:$0x3FA4] =	sst s4  }
0xd: {  	[smem:$0x3FA5] =	sst s5  }
0xe: {  	[smem:$0x3FA6] =	sst s6  }
0xf: {  	[smem:$0x3FA7] =	sst s7  }
0x10: {  	[smem:$0x3FA8] =	sst s8  }
0x11: {  	[smem:$0x3FA9] =	sst s9;
	s0 =	simm.s32 @!p0 $0x0  }
0x12: {  	s1 =	sld [smem:$0x3F8F];
	s0 =	simm.s32 @p0 $0x1  }
0x13: {  	[smem:$0x3FAA] =	sst s0;
	s0 =	simm.s32 @!p1 $0x0  }
0x14: {  	s2 =	sld [smem:$0x3F8E];
	s0 =	simm.s32 @p1 $0x1  }
0x15: {  	[smem:$0x3FAB] =	sst s0;
	s0 =	simm.s32 @!p2 $0x0  }
0x16: {  	s3 =	sld [smem:$0x3FDB];
	s0 =	simm.s32 @p2 $0x1  }
0x17: {  	s4 =	simm.s32 $0x1BF5;
	[smem:$0x3FAD] =	sst s0  }
0x18: {  	s0 =	sld [smem:$0x3F90];
	_ =	swait.ge [sflag:s4], $0x0  }
0x19: {  	s7 =	sld [smem:$0x3F91]  }
0x1a: {  	s8 =	sadd.s32 $0xFFFFE003, lr  }
0x1b: {  	s9 =	sadd.s32 $0xFFFFFEF7, lr;
	s5 =	simm.s32 $0xFFFFFFFF;
	p2 =	slt.u32 s8, $0xFFFFF086  }
0x1c: {  	p1 =	slt.u32 s9, $0xF7A;
	s5 =	simm.s32 @!p2 $0x0  }
0x1d: {  	s5 =	simm.s32 @p1 $0x1;
	p0 =	seq.s32 s7, s2  }
0x1e: {  	s7 =	smul.u32 @!p0 $0xF7A, s2;
	p2 =	seq.s32 @!p0 s5, $0x0  }
0x1f: {  	s9 =	smul.u32 $0xF7A, s1;
	s8 =	simm.s32 @!p0 $0x1BF5;
	p2 =	por !p2, p0  }
0x20: {  	[sflag:s8] =	ssyncset.s32 @!p0 $0xFFFFF086;
	s6 =	sadd.s32 @!p0 s3, s7;
	s7 =	simm.s32 @!p0 $0x108  }
0x21: {  	s3 =	sadd.s32 s3, s9;
	s6 =	sadd.s32 @!p0 $0x88, s6;
	s7 =	simm.s32 @p2 $0x1082  }
0x22: {  	[simem:s7], [sflag:s8] =	dma.local @!p0 [hbm:s6], $0xF7A  }
0x23: {  	s9 =	sor.u32 $0xD0000000, s2;
	s6 =	simm.s32 $0x108;
	_ =	swait.ge @!p0 [sflag:s8], $0x0  }
0x24: {  	s3 =	sadd.s32 $0x88, s3;
	s6 =	simm.s32 @!p1 $0x1082;
	[sflag:s4] =	ssyncset.s32 $0xFFFFF086  }
0x25: {  	[simem:s6], [sflag:s4] =	dma.local [hbm:s3], $0xF7A  }
0x26: {  	[smem:$0x3F91] =	sst s1;
	(tag) =	ssettag s2;
	_ =	strace s9  }
0x27: {  	s1 =	sld [smem:$0x3FA1]  }
0x28: {  	s2 =	sld [smem:$0x3FA2]  }
0x29: {  	s4 =	sld [smem:$0x3FA4]  }
0x2a: {  	p0 =	seq.s32 s5, $0x0;
	s5 =	sld [smem:$0x3FA5]  }
0x2b: {  	s6 =	sld [smem:$0x3FA6]  }
0x2c: {  	s7 =	sld [smem:$0x3FA7]  }
0x2d: {  	s3 =	simm.s32 $0x108;
	s8 =	sld [smem:$0x3FA8]  }
0x2e: {  	s3 =	simm.s32 @!p0 $0x1082;
	s9 =	sld [smem:$0x3FA9]  }
0x2f: {  	lr =	sadd.s32 s0, s3;
	s0 =	sld [smem:$0x3FA0]  }
0x30: {  	s3 =	sld [smem:$0x3FA3]  }
0x31: {  	[smem:$0x3FAC] =	sst s10  }
0x32: {  	s10 =	sld [smem:$0x3FAA];
	_ =	sdelay $0x3  }
0x33: {  	p0 =	seq.s32 s10, $0x1;
	s10 =	sld [smem:$0x3FAC];
	_ =	sdelay $0x3  }
0x34: {  	[smem:$0x3FAC] =	sst s10  }
0x35: {  	s10 =	sld [smem:$0x3FAB];
	_ =	sdelay $0x3  }
0x36: {  	p1 =	seq.s32 s10, $0x1;
	s10 =	sld [smem:$0x3FAC];
	_ =	sdelay $0x3  }
0x37: {  	[smem:$0x3FAC] =	sst s10  }
0x38: {  	s10 =	sld [smem:$0x3FAD]  }
0x39: {  	_ = 	snop;
	(pc) =	sbr.ind lr, $3  }
0x3a: {  	_ = 	snop  }
0x3b: {  	_ = 	snop  }
0x3c: {  	p2 =	seq.s32 s10, $0x1;
	s10 =	sld [smem:$0x3FAC]  }
0x3d: {  	_ =	shalt  }
0x3e: {  	_ =	shalt  }
0x3f: {  	_ =	shalt  }
0x40: {  	_ =	shalt  }
0x41: {  	_ =	shalt  }
0x42: {  	_ =	shalt  }
0x43: {  	_ =	shalt  }
0x44: {  	_ =	shalt  }
0x45: {  	_ =	shalt  }
0x46: {  	_ =	shalt  }
0x47: {  	_ =	shalt  }
0x48: {  	_ =	shalt  }
0x49: {  	_ =	shalt  }
0x4a: {  	_ =	shalt  }
0x4b: {  	_ =	shalt  }
0x4c: {  	_ =	shalt  }
0x4d: {  	_ =	shalt  }
0x4e: {  	_ =	shalt  }
0x4f: {  	_ =	shalt  }
0x50: {  	_ =	shalt  }
0x51: {  	_ =	shalt  }
0x52: {  	_ =	shalt  }
0x53: {  	_ =	shalt  }
0x54: {  	_ =	shalt  }
0x55: {  	_ =	shalt  }
0x56: {  	_ =	shalt  }
0x57: {  	_ =	shalt  }
0x58: {  	_ =	shalt  }
0x59: {  	_ =	shalt  }
0x5a: {  	_ =	shalt  }
0x5b: {  	_ =	shalt  }
0x5c: {  	_ =	shalt  }
0x5d: {  	_ =	shalt  }
0x5e: {  	_ =	shalt  }
0x5f: {  	_ =	shalt  }
0x60: {  	_ =	shalt  }
0x61: {  	_ =	shalt  }
0x62: {  	_ =	shalt  }
0x63: {  	_ =	shalt  }
0x64: {  	_ =	shalt  }
0x65: {  	_ =	shalt  }
0x66: {  	_ =	shalt  }
0x67: {  	_ =	shalt  }
0x68: {  	_ =	shalt  }
0x69: {  	_ =	shalt  }
0x6a: {  	_ =	shalt  }
0x6b: {  	_ =	shalt  }
0x6c: {  	_ =	shalt  }
0x6d: {  	_ =	shalt  }
0x6e: {  	_ =	shalt  }
0x6f: {  	_ =	shalt  }
0x70: {  	_ =	shalt  }
0x71: {  	_ =	shalt  }
0x72: {  	_ =	shalt  }
0x73: {  	_ =	shalt  }
0x74: {  	_ =	shalt  }
0x75: {  	_ =	shalt  }
0x76: {  	_ =	shalt  }
0x77: {  	_ =	shalt  }
0x78: {  	_ =	shalt  }
0x79: {  	_ =	shalt  }
0x7a: {  	_ =	shalt  }
0x7b: {  	_ =	shalt  }
0x7c: {  	_ =	shalt  }
0x7d: {  	_ =	shalt  }
0x7e: {  	_ =	shalt  }
0x7f: {  	_ =	shalt  }
0x80: {  	_ =	shalt  }
0x81: {  	_ =	shalt  }
0x82: {  	_ =	shalt  }
0x83: {  	_ =	shalt  }
0x84: {  	_ =	shalt  }
0x85: {  	_ =	shalt  }
0x86: {  	_ =	shalt  }
0x87: {  	_ =	shalt  }
.Lfunc_end0:
.L_simem_size_0:
called_computation_lowered:
.L_overlay_start_0:
0x88: {  	s2 =	sld [smem:$0x3FD9]  }
0x89: {  	s3 =	sld [smem:$0x3FFE];
	_ =	sdelay $0x1  }
0x8a: {  	s1 =	srdreg.scid  }
0x8b: {  	s0 =	sand.u32 $0x1, s1  }
0x8c: {  	s17 =	sshll.u32 s0, $0xA;
	s2 =	sadd.s32 s3, s2  }
0x8d: {  	s2 =	sadd.s32 s2, s17  }
0x8e: {  	[smem:$0x3FB8] =	sst s2  }
0x8f: {  	_ = 	snop  }
0x90: {  	s2 =	sld [smem:$0x3FD0];
	(tm) =	ssettm $0x1  }
0x91: {  	s18 =	sld [smem:$0x3FFB];
	_ =	sdelay $0x3  }
0x92: {  	_ =	strace s18  }
0x93: {  	s3 =	sld [smem:$0x3FFC];
	_ =	sdelay $0x3  }
0x94: {  	_ =	strace s3  }
0x95: {  	s3 =	sld [smem:$0x3FFD];
	_ =	sdelay $0x3  }
0x96: {  	_ =	strace s3  }
0x97: {  	_ =	strace $0x8FFFFFFF  }
0x98: {  	s19 =	sld [smem:$0x3FDB];
	_ =	sdelay $0x1  }
0x99: {  	s4 =	simm.s32 $_scs_section_size  }
0x9a: {  	s5 =	simm.s32 $_size__tile_overlayer_lowered;
	s6 =	simm.s32 $_tile_overlayer_lowered  }
0x9b: {  	s22 =	simm.s32 $0x1BFF;
	s21 =	sshll.u32 s6, $0x1;
	s3 =	sadd.s32 s4, s19  }
0x9c: {  	s7 =	simm.s32 $0x0;
	s20 =	sshll.u32 s5, $0x1;
	s5 =	sadd.s32 s21, s3  }
0x9d: {  	[timem:s7], [sflag:s22] =	dma.local [hbm:s5], s20  }
0x9e: {  	_ =	swait.ge [sflag:s22], s20  }
0x9f: {  	s4 =	ssub.s32 $0x0, s20;
	[sflag:s22] =	ssyncset.done $0x0  }
0xa0: {  	[sflag:s22] =	ssyncadd.s32 s4;
	_ =	sdelay $0x1  }
0xa1: {  	s23 =	simm.s32 $0x1B8B  }
0xa2: {  	_ =	swait.ge [sflag:s23], $0x1  }
0xa3: {  	[sflag:s23] =	ssyncset.done $0x0  }
0xa4: {  	s25 =	simm.s32 $0x1B8E;
	s24 =	sld [smem:$0x3FFE];
	[sflag:s23] =	ssyncadd.s32 $0xFFFFFFFF  }
0xa5: {  	s26 =	simm.s32 $execute0_lowered;
	[smem:$0x3FD2] =	sst s25  }
0xa6: {  	s5 =	sshll.u32 s26, $0x1;
	_ =	strace $0x80000046;
	[dreg:$0x1] =	wrdreg $0xFFFFFFFF  }
0xa7: {  	s28 =	simm.s32 $_size_execute0_lowered;
	s3 =	sadd.s32 s3, s5;
	[dreg:$0x0] =	wrdreg $0x0  }
0xa8: {  	s5 =	sshll.u32 s28, $0x1;
	[dreg:$0x2] =	wrdreg s3  }
0xa9: {  	[dreg:$0x3] =	wrdreg s5  }
0xaa: {  	[dreg:$0x4] =	wrdreg $0xC0  }
0xab: {  	_ =	task [dreg:s7], $0x5FFFF  }
0xac: {  	[dreg:$0x1] =	wrdreg $0xFFFFFFFF  }
0xad: {  	[dreg:$0x0] =	wrdreg $0x60  }
0xae: {  	[dreg:$0x2] =	wrdreg s2  }
0xaf: {  	[dreg:$0x3] =	wrdreg s24  }
0xb0: {  	[dreg:$0x4] =	wrdreg $0x9  }
0xb1: {  	_ =	task.clear_ibuf [dreg:s7], $0x5FFFF;
	_ =	strace $0x90000046  }
0xb2: {  	s29 =	simm.s32 $0x9;
	_ =	strace $0x80000048  }
0xb3: {  	_ =	swait.ge [sflag:s29], $0x1  }
0xb4: {  	[sflag:s29] =	ssyncadd.s32 $0xFFFFFFFF  }
0xb5: {  	_ =	strace $0x90000048  }
0xb6: {  	_ =	sfence  }
0xb7: {  	s30 =	sld [smem:$0x0];
	_ =	sdelay $0x2  }
0xb8: {  	s31 =	sshll.u32 s1, $0xD;
	s1 =	sshrl.u32 s1, $0x2  }
0xb9: {  	s3 =	sand.u32 $0x4000, s31;
	s1 =	sadd.s32 s1, s30  }
0xba: {  	s0 =	sor.u32 s3, s0;
	s1 =	sshll.u32 s1, $0x11  }
0xbb: {  	s0 =	sor.u32 s1, s0  }
0xbc: {  	s0 =	sadd.s32 $0x8F2B, s0  }
0xbd: {  	[sflag:s0] =	ssyncadd.remote.s32 $0x1  }
0xbe: {  	_ =	sfence.sel $0xFFFF  }
0xbf: {  	[dreg:$0x0] =	wrdreg $0xFFFFFFFF;
	(pc) =	sbr.abs _section_cstart, $3  }
0xc0: {  	[dreg:$0x1] =	wrdreg $0xFFFFFFFF  }
0xc1: {  	_ =	task.clear_ibuf [dreg:s7], $0x2FFFF;
	_ =	strace $0x9FFFFFFF  }
0xc2: {  	(tm) =	ssettm $0x7FFFFFFF  }
0xc3: {  	_ =	shalt  }
tec
execute0_lowered:
.L_overlay_start_1:
0x0: {  	(tag) =	ssettag $0x1  }
0x1: {  	s2 =	rddreg [dreg:$0x0]  }
0x2: {  	s5 =	stileid.u32;
	s0 =	rddreg [dreg:$0x1]  }
0x3: {  	s1 =	srdreg.scid;
	s10 =	simm.s32 $0x7;
	s11 =	simm.s32 $0x1000  }
0x4: {  	s9 =	simm.s32 $0x19800;
	s12 =	simm.s32 $0x1;
	s13 =	simm.s32 $0x2  }
0x5: {  	s14 =	simm.s32 $0x3;
	s15 =	simm.s32 $0x1A000;
	s16 =	simm.s32 $0x4  }
0x6: {  	s17 =	simm.s32 $0x5;
	s18 =	simm.s32 $0x6;
	s20 =	simm.s32 $0x0  }
0x7: {  	s3 =	sshll.u32 s5, $0x1;
	s1 =	sand.u32 $0x1, s1;
	s5 =	sshrl.u32 s5, $0x1  }
0x8: {  	s4 =	sand.u32 $0x2, s3;
	s3 =	simm.s32 $0x0;
	s25 =	sshll.u32 s5, $0xB  }
0x9: {  	s30 =	sshll.u32 s5, $0x15;
	s5 =	simm.s32 $0x18800;
	s6 =	sor.u32 s1, s4  }
0xa: {  	[smem:$0x7FF] =	sst s3;
	s1 =	ssub.s32 $0x2, s1;
	s7 =	sshll.u32 s6, $0x9  }
0xb: {  	_ =	strace $0x80000047;
	s26 =	sshrl.u32 s1, $0x1;
	s4 =	sor.u32 s25, s7  }
0xc: {  	s31 =	sshll.u32 s6, $0x13;
	s6 =	simm.s32 $0x19000;
	s7 =	sadd.s32 s4, s0  }
0xd: {  	s8 =	sor.u32 s30, s31;
	s4 =	sadd.s32 $0xA800, s0;
	s28 =	sadd.s32 $0x2800, s7  }
0xe: {  	v2 =	vlaneseq.u32;
	s0 =	ssub.s32 s1, s26;
	s29 =	sadd.s32 $0x6800, s7;
	[dreg:$0x3] =	wrdreg s28  }
0xf: {  	vm0 =	vmmov $0xffff;
	v1 =	vshrl.u32 v2, $0x3;
	s1 =	simm.s32 $0x17800;
	s0 =	smax.u32 s0, $0x1;
	[dreg:$0x4] =	wrdreg s29  }
0x10: {  	v0 =	vand.u32 $0x7, v2;
	v2 =	vor.u32 $0x8, v2;
	v1 =	vmul.u32 $0x8, v1;
	s7 =	sadd.s32 $0x100, s2;
	[dreg:$0x5] =	wrdreg s0;
	s0 =	simm.s32 $0x18000  }
.LBB2_1:
0x11: {  	[dreg:$0x6] =	wrdreg s20  }
0x12: {  	s19 =	rddreg [dreg:$0x3]  }
0x13: {  	[tilespmem:s3], [sflag:$0x7] =	stream.linear.gather [hbm4b:s19+s3], $0x1000, $0x38;
	[tilespmem:$0x1E000] =	vst v63  }
0x14: {  	_ =	swait.ge [sflag:s10], $0x1000  }
0x15: {  	[sflag:s10] =	ssyncset.done $0x0  }
0x16: {  	s29 =	rddreg [dreg:$0x4];
	[sflag:s10] =	ssyncadd.s32 $0xFFFFF000  }
0x17: {  	[tilespmem:s11], [sflag:$0x7] =	stream.linear.gather [hbm4b:s29+s3], $0x1000, $0x38;
	[tilespmem:$0x1E000] =	vst v63  }
0x18: {  	_ =	swait.ge [sflag:s10], $0x1000  }
0x19: {  	[sflag:s10] =	ssyncset.done $0x0  }
0x1a: {  	[sflag:s10] =	ssyncadd.s32 $0xFFFFF000  }
0x1b: {  	v3 =	vld [tilespmem:$0x0];
	_ =	sdelay $0x4  }
0x1c: {  	v4 =	vshll.u32 v3, $0x2  }
0x1d: {  	v3 =	vand.u32 $0x7, v3;
	v4 =	vand.u32 $0xFFFFFFE0, v4  }
0x1e: {  	v3 =	vor.u32 v3, v4  }
0x1f: {  	v4 =	vperm.xlane v3, v0;
	_ =	sdelay $0x1  }
0x20: {  	v4 =	vadd.s32 v1, v4;
	_ =	sdelay $0x1  }
0x21: {  	v3 =	vperm.xlane v3, v2;
	_ =	sdelay $0x1  }
0x22: {  	s30 =	simm.s32 $0x2000;
	v3 =	vadd.s32 v1, v3  }
0x23: {  	[tilespmem:s30], [sflag:$0x1] =	stream.indirect_vreg.gather [hbm4b:s2+s3], $0x80, v4, vm0, $0xb8;
	[tilespmem:$0x1E000] =	vst v63  }
0x24: {  	s31 =	simm.s32 $0x2800  }
0x25: {  	[tilespmem:s31], [sflag:$0x1] =	stream.indirect_vreg.gather [hbm4b:s7+s3], $0x80, v4, vm0, $0xb8;
	[tilespmem:$0x1E000] =	vst v63  }
0x26: {  	s20 =	simm.s32 $0x3000  }
0x27: {  	[tilespmem:s20], [sflag:$0x1] =	stream.indirect_vreg.gather [hbm4b:s2+s3], $0x80, v3, vm0, $0xb8;
	[tilespmem:$0x1E000] =	vst v63  }
0x28: {  	s21 =	simm.s32 $0x3800  }
0x29: {  	[tilespmem:s21], [sflag:$0x1] =	stream.indirect_vreg.gather [hbm4b:s7+s3], $0x80, v3, vm0, $0xb8;
	[tilespmem:$0x1E000] =	vst v63  }
0x2a: {  	v3 =	vld [tilespmem:$0x10];
	_ =	sdelay $0x4  }
0x2b: {  	v59 =	vshll.u32 v3, $0x2  }
0x2c: {  	v3 =	vand.u32 $0x7, v3;
	v4 =	vand.u32 $0xFFFFFFE0, v59  }
0x2d: {  	v3 =	vor.u32 v3, v4  }
0x2e: {  	v4 =	vperm.xlane v3, v0;
	_ =	sdelay $0x1  }
0x2f: {  	v4 =	vadd.s32 v1, v4;
	_ =	sdelay $0x1  }
0x30: {  	v3 =	vperm.xlane v3, v2;
	_ =	sdelay $0x1  }
0x31: {  	s22 =	simm.s32 $0x4000;
	v3 =	vadd.s32 v1, v3  }
0x32: {  	[tilespmem:s22], [sflag:$0x1] =	stream.indirect_vreg.gather [hbm4b:s2+s3], $0x80, v4, vm0, $0xb8;
	[tilespmem:$0x1E000] =	vst v63  }
0x33: {  	s23 =	simm.s32 $0x4800  }
0x34: {  	[tilespmem:s23], [sflag:$0x1] =	stream.indirect_vreg.gather [hbm4b:s7+s3], $0x80, v4, vm0, $0xb8;
	[tilespmem:$0x1E000] =	vst v63  }
0x35: {  	s24 =	simm.s32 $0x5000  }
0x36: {  	[tilespmem:s24], [sflag:$0x1] =	stream.indirect_vreg.gather [hbm4b:s2+s3], $0x80, v3, vm0, $0xb8;
	[tilespmem:$0x1E000] =	vst v63  }
0x37: {  	s25 =	simm.s32 $0x5800  }
0x38: {  	[tilespmem:s25], [sflag:$0x1] =	stream.indirect_vreg.gather [hbm4b:s7+s3], $0x80, v3, vm0, $0xb8;
	[tilespmem:$0x1E000] =	vst v63  }
0x39: {  	v3 =	vld [tilespmem:$0x80];
	_ =	sdelay $0x4  }
0x3a: {  	v60 =	vshll.u32 v3, $0x2  }
0x3b: {  	v3 =	vand.u32 $0x7, v3;
	v4 =	vand.u32 $0xFFFFFFE0, v60  }
0x3c: {  	v3 =	vor.u32 v3, v4  }
0x3d: {  	v4 =	vperm.xlane v3, v0;
	_ =	sdelay $0x1  }
0x3e: {  	v4 =	vadd.s32 v1, v4;
	_ =	sdelay $0x1  }
0x3f: {  	v3 =	vperm.xlane v3, v2;
	_ =	sdelay $0x1  }
0x40: {  	s26 =	simm.s32 $0x6000;
	v3 =	vadd.s32 v1, v3  }
0x41: {  	[tilespmem:s26], [sflag:$0x2] =	stream.indirect_vreg.gather [hbm4b:s2+s3], $0x80, v4, vm0, $0xb8;
	[tilespmem:$0x1E000] =	vst v63  }
0x42: {  	s28 =	simm.s32 $0x6800  }
0x43: {  	[tilespmem:s28], [sflag:$0x2] =	stream.indirect_vreg.gather [hbm4b:s7+s3], $0x80, v4, vm0, $0xb8;
	[tilespmem:$0x1E000] =	vst v63  }
0x44: {  	s29 =	simm.s32 $0x7000  }
0x45: {  	[tilespmem:s29], [sflag:$0x2] =	stream.indirect_vreg.gather [hbm4b:s2+s3], $0x80, v3, vm0, $0xb8;
	[tilespmem:$0x1E000] =	vst v63  }
0x46: {  	s30 =	simm.s32 $0x7800  }
0x47: {  	[tilespmem:s30], [sflag:$0x2] =	stream.indirect_vreg.gather [hbm4b:s7+s3], $0x80, v3, vm0, $0xb8;
	[tilespmem:$0x1E000] =	vst v63  }
0x48: {  	v3 =	vld [tilespmem:$0x90];
	_ =	sdelay $0x4  }
0x49: {  	v61 =	vshll.u32 v3, $0x2  }
0x4a: {  	v3 =	vand.u32 $0x7, v3;
	v4 =	vand.u32 $0xFFFFFFE0, v61  }
0x4b: {  	v3 =	vor.u32 v3, v4  }
0x4c: {  	v4 =	vperm.xlane v3, v0;
	_ =	sdelay $0x1  }
0x4d: {  	v4 =	vadd.s32 v1, v4;
	_ =	sdelay $0x1  }
0x4e: {  	v3 =	vperm.xlane v3, v2;
	_ =	sdelay $0x1  }
0x4f: {  	s31 =	simm.s32 $0x8000;
	v3 =	vadd.s32 v1, v3  }
0x50: {  	[tilespmem:s31], [sflag:$0x2] =	stream.indirect_vreg.gather [hbm4b:s2+s3], $0x80, v4, vm0, $0xb8;
	[tilespmem:$0x1E000] =	vst v63  }
0x51: {  	s20 =	simm.s32 $0x8800  }
0x52: {  	[tilespmem:s20], [sflag:$0x2] =	stream.indirect_vreg.gather [hbm4b:s7+s3], $0x80, v4, vm0, $0xb8;
	[tilespmem:$0x1E000] =	vst v63  }
0x53: {  	s21 =	simm.s32 $0x9000  }
0x54: {  	[tilespmem:s21], [sflag:$0x2] =	stream.indirect_vreg.gather [hbm4b:s2+s3], $0x80, v3, vm0, $0xb8;
	[tilespmem:$0x1E000] =	vst v63  }
0x55: {  	s22 =	simm.s32 $0x9800  }
0x56: {  	[tilespmem:s22], [sflag:$0x2] =	stream.indirect_vreg.gather [hbm4b:s7+s3], $0x80, v3, vm0, $0xb8;
	[tilespmem:$0x1E000] =	vst v63  }
0x57: {  	v3 =	vld [tilespmem:$0x100];
	_ =	sdelay $0x4  }
0x58: {  	v62 =	vshll.u32 v3, $0x2  }
0x59: {  	v3 =	vand.u32 $0x7, v3;
	v4 =	vand.u32 $0xFFFFFFE0, v62  }
0x5a: {  	v3 =	vor.u32 v3, v4  }
0x5b: {  	v4 =	vperm.xlane v3, v0;
	_ =	sdelay $0x1  }
0x5c: {  	v4 =	vadd.s32 v1, v4;
	_ =	sdelay $0x1  }
0x5d: {  	v3 =	vperm.xlane v3, v2;
	_ =	sdelay $0x1  }
0x5e: {  	s23 =	simm.s32 $0xA000;
	v3 =	vadd.s32 v1, v3  }
0x5f: {  	[tilespmem:s23], [sflag:$0x3] =	stream.indirect_vreg.gather [hbm4b:s2+s3], $0x80, v4, vm0, $0xb8;
	[tilespmem:$0x1E000] =	vst v63  }
0x60: {  	s24 =	simm.s32 $0xA800  }
0x61: {  	[tilespmem:s24], [sflag:$0x3] =	stream.indirect_vreg.gather [hbm4b:s7+s3], $0x80, v4, vm0, $0xb8;
	[tilespmem:$0x1E000] =	vst v63  }
0x62: {  	s25 =	simm.s32 $0xB000  }
0x63: {  	[tilespmem:s25], [sflag:$0x3] =	stream.indirect_vreg.gather [hbm4b:s2+s3], $0x80, v3, vm0, $0xb8;
	[tilespmem:$0x1E000] =	vst v63  }
0x64: {  	s26 =	simm.s32 $0xB800  }
0x65: {  	[tilespmem:s26], [sflag:$0x3] =	stream.indirect_vreg.gather [hbm4b:s7+s3], $0x80, v3, vm0, $0xb8;
	[tilespmem:$0x1E000] =	vst v63  }
0x66: {  	v3 =	vld [tilespmem:$0x110];
	_ =	sdelay $0x4  }
0x67: {  	v63 =	vshll.u32 v3, $0x2  }
0x68: {  	v3 =	vand.u32 $0x7, v3;
	v4 =	vand.u32 $0xFFFFFFE0, v63  }
0x69: {  	v3 =	vor.u32 v3, v4  }
0x6a: {  	v4 =	vperm.xlane v3, v0;
	_ =	sdelay $0x1  }
0x6b: {  	v4 =	vadd.s32 v1, v4;
	_ =	sdelay $0x1  }
0x6c: {  	v3 =	vperm.xlane v3, v2;
	_ =	sdelay $0x1  }
0x6d: {  	s28 =	simm.s32 $0xC000;
	v3 =	vadd.s32 v1, v3  }
0x6e: {  	[tilespmem:s28], [sflag:$0x3] =	stream.indirect_vreg.gather [hbm4b:s2+s3], $0x80, v4, vm0, $0xb8;
	[tilespmem:$0x1E000] =	vst v63  }
0x6f: {  	s29 =	simm.s32 $0xC800  }
0x70: {  	[tilespmem:s29], [sflag:$0x3] =	stream.indirect_vreg.gather [hbm4b:s7+s3], $0x80, v4, vm0, $0xb8;
	[tilespmem:$0x1E000] =	vst v63  }
0x71: {  	s30 =	simm.s32 $0xD000  }
0x72: {  	[tilespmem:s30], [sflag:$0x3] =	stream.indirect_vreg.gather [hbm4b:s2+s3], $0x80, v3, vm0, $0xb8;
	[tilespmem:$0x1E000] =	vst v63  }
0x73: {  	s19 =	simm.s32 $0x0;
	s31 =	simm.s32 $0xD800  }
0x74: {  	[tilespmem:s31], [sflag:$0x3] =	stream.indirect_vreg.gather [hbm4b:s7+s3], $0x80, v3, vm0, $0xb8;
	[tilespmem:$0x1E000] =	vst v63  }
.LBB2_2:
0x75: {  	s21 =	sshll.u32 s19, $0x6  }
0x76: {  	s23 =	sshll.u32 s19, $0x8;
	s20 =	sor.u32 $0x20, s21  }
0x77: {  	s22 =	sand.u32 $0xE00, s23;
	s24 =	sand.u32 $0x60, s20  }
0x78: {  	s25 =	sor.u32 s24, s22  }
0x79: {  	v3 =	vld [tilespmem:s25+$0x0];
	_ =	sdelay $0x4  }
0x7a: {  	v4 =	vshll.u32 v3, $0x2  }
0x7b: {  	v3 =	vand.u32 $0x7, v3;
	v4 =	vand.u32 $0xFFFFFFE0, v4  }
0x7c: {  	v3 =	vor.u32 v3, v4  }
0x7d: {  	v4 =	vperm.xlane v3, v0;
	_ =	sdelay $0x1  }
0x7e: {  	v4 =	vadd.s32 v1, v4;
	_ =	sdelay $0x1  }
0x7f: {  	v3 =	vperm.xlane v3, v2;
	_ =	sdelay $0x1  }
0x80: {  	s26 =	simm.s32 $0xE000;
	s22 =	simm.s32 $0x0;
	v3 =	vadd.s32 v1, v3  }
0x81: {  	[tilespmem:s26], [sflag:$0x4] =	stream.indirect_vreg.gather [hbm4b:s2+s22], $0x80, v4, vm0, $0xb8;
	[tilespmem:$0x1E000] =	vst v63  }
0x82: {  	s31 =	simm.s32 $0xE800  }
0x83: {  	[tilespmem:s31], [sflag:$0x4] =	stream.indirect_vreg.gather [hbm4b:s7+s22], $0x80, v4, vm0, $0xb8;
	[tilespmem:$0x1E000] =	vst v63  }
0x84: {  	s28 =	simm.s32 $0xF000  }
0x85: {  	[tilespmem:s28], [sflag:$0x4] =	stream.indirect_vreg.gather [hbm4b:s2+s22], $0x80, v3, vm0, $0xb8;
	[tilespmem:$0x1E000] =	vst v63  }
0x86: {  	s29 =	simm.s32 $0xF800  }
0x87: {  	[tilespmem:s29], [sflag:$0x4] =	stream.indirect_vreg.gather [hbm4b:s7+s22], $0x80, v3, vm0, $0xb8;
	[tilespmem:$0x1E000] =	vst v63  }
0x88: {  	v3 =	vld [tilespmem:s25+$0x10];
	_ =	sdelay $0x4  }
0x89: {  	v59 =	vshll.u32 v3, $0x2  }
0x8a: {  	v3 =	vand.u32 $0x7, v3;
	v4 =	vand.u32 $0xFFFFFFE0, v59  }
0x8b: {  	v3 =	vor.u32 v3, v4  }
0x8c: {  	v4 =	vperm.xlane v3, v0;
	_ =	sdelay $0x1  }
0x8d: {  	v4 =	vadd.s32 v1, v4;
	_ =	sdelay $0x1  }
0x8e: {  	v3 =	vperm.xlane v3, v2;
	_ =	sdelay $0x1  }
0x8f: {  	s30 =	simm.s32 $0x10000;
	v3 =	vadd.s32 v1, v3  }
0x90: {  	[tilespmem:s30], [sflag:$0x4] =	stream.indirect_vreg.gather [hbm4b:s2+s22], $0x80, v4, vm0, $0xb8;
	[tilespmem:$0x1E000] =	vst v63  }
0x91: {  	s31 =	simm.s32 $0x10800  }
0x92: {  	[tilespmem:s31], [sflag:$0x4] =	stream.indirect_vreg.gather [hbm4b:s7+s22], $0x80, v4, vm0, $0xb8;
	[tilespmem:$0x1E000] =	vst v63  }
0x93: {  	s28 =	simm.s32 $0x11000  }
0x94: {  	[tilespmem:s28], [sflag:$0x4] =	stream.indirect_vreg.gather [hbm4b:s2+s22], $0x80, v3, vm0, $0xb8;
	[tilespmem:$0x1E000] =	vst v63  }
0x95: {  	s29 =	simm.s32 $0x11800  }
0x96: {  	[tilespmem:s29], [sflag:$0x4] =	stream.indirect_vreg.gather [hbm4b:s7+s22], $0x80, v3, vm0, $0xb8;
	[tilespmem:$0x1E000] =	vst v63  }
0x97: {  	v3 =	vld [tilespmem:s25+$0x80];
	_ =	sdelay $0x4  }
0x98: {  	v60 =	vshll.u32 v3, $0x2  }
0x99: {  	v3 =	vand.u32 $0x7, v3;
	v4 =	vand.u32 $0xFFFFFFE0, v60  }
0x9a: {  	v3 =	vor.u32 v3, v4  }
0x9b: {  	v4 =	vperm.xlane v3, v0;
	_ =	sdelay $0x1  }
0x9c: {  	v4 =	vadd.s32 v1, v4;
	_ =	sdelay $0x1  }
0x9d: {  	v3 =	vperm.xlane v3, v2;
	_ =	sdelay $0x1  }
0x9e: {  	s30 =	simm.s32 $0x12000;
	v3 =	vadd.s32 v1, v3  }
0x9f: {  	[tilespmem:s30], [sflag:$0x5] =	stream.indirect_vreg.gather [hbm4b:s2+s22], $0x80, v4, vm0, $0xb8;
	[tilespmem:$0x1E000] =	vst v63  }
0xa0: {  	s31 =	simm.s32 $0x12800  }
0xa1: {  	[tilespmem:s31], [sflag:$0x5] =	stream.indirect_vreg.gather [hbm4b:s7+s22], $0x80, v4, vm0, $0xb8;
	[tilespmem:$0x1E000] =	vst v63  }
0xa2: {  	s28 =	simm.s32 $0x13000  }
0xa3: {  	[tilespmem:s28], [sflag:$0x5] =	stream.indirect_vreg.gather [hbm4b:s2+s22], $0x80, v3, vm0, $0xb8;
	[tilespmem:$0x1E000] =	vst v63  }
0xa4: {  	s29 =	simm.s32 $0x13800  }
0xa5: {  	[tilespmem:s29], [sflag:$0x5] =	stream.indirect_vreg.gather [hbm4b:s7+s22], $0x80, v3, vm0, $0xb8;
	[tilespmem:$0x1E000] =	vst v63  }
0xa6: {  	v3 =	vld [tilespmem:s25+$0x90];
	_ =	sdelay $0x4  }
0xa7: {  	v61 =	vshll.u32 v3, $0x2  }
0xa8: {  	v3 =	vand.u32 $0x7, v3;
	v4 =	vand.u32 $0xFFFFFFE0, v61  }
0xa9: {  	v3 =	vor.u32 v3, v4  }
0xaa: {  	v4 =	vperm.xlane v3, v0;
	_ =	sdelay $0x1  }
0xab: {  	v4 =	vadd.s32 v1, v4;
	_ =	sdelay $0x1  }
0xac: {  	v3 =	vperm.xlane v3, v2;
	_ =	sdelay $0x1  }
0xad: {  	s30 =	simm.s32 $0x14000;
	v3 =	vadd.s32 v1, v3  }
0xae: {  	[tilespmem:s30], [sflag:$0x5] =	stream.indirect_vreg.gather [hbm4b:s2+s22], $0x80, v4, vm0, $0xb8;
	[tilespmem:$0x1E000] =	vst v63  }
0xaf: {  	s31 =	simm.s32 $0x14800  }
0xb0: {  	[tilespmem:s31], [sflag:$0x5] =	stream.indirect_vreg.gather [hbm4b:s7+s22], $0x80, v4, vm0, $0xb8;
	[tilespmem:$0x1E000] =	vst v63  }
0xb1: {  	s23 =	sor.u32 s24, s23;
	s26 =	simm.s32 $0x15000  }
0xb2: {  	[tilespmem:s26], [sflag:$0x5] =	stream.indirect_vreg.gather [hbm4b:s2+s22], $0x80, v3, vm0, $0xb8;
	[tilespmem:$0x1E000] =	vst v63  }
0xb3: {  	s24 =	sor.u32 $0x100, s23;
	s28 =	simm.s32 $0x15800  }
0xb4: {  	[tilespmem:s28], [sflag:$0x5] =	stream.indirect_vreg.gather [hbm4b:s7+s22], $0x80, v3, vm0, $0xb8;
	[tilespmem:$0x1E000] =	vst v63  }
0xb5: {  	v3 =	vld [tilespmem:s24+$0x0];
	_ =	sdelay $0x4  }
0xb6: {  	v62 =	vshll.u32 v3, $0x2  }
0xb7: {  	v3 =	vand.u32 $0x7, v3;
	v4 =	vand.u32 $0xFFFFFFE0, v62  }
0xb8: {  	v3 =	vor.u32 v3, v4  }
0xb9: {  	v4 =	vperm.xlane v3, v0;
	_ =	sdelay $0x1  }
0xba: {  	v4 =	vadd.s32 v1, v4;
	_ =	sdelay $0x1  }
0xbb: {  	v3 =	vperm.xlane v3, v2;
	_ =	sdelay $0x1  }
0xbc: {  	s29 =	simm.s32 $0x16000;
	v3 =	vadd.s32 v1, v3  }
0xbd: {  	[tilespmem:s29], [sflag:$0x6] =	stream.indirect_vreg.gather [hbm4b:s2+s22], $0x80, v4, vm0, $0xb8;
	[tilespmem:$0x1E000] =	vst v63  }
0xbe: {  	s30 =	simm.s32 $0x16800  }
0xbf: {  	[tilespmem:s30], [sflag:$0x6] =	stream.indirect_vreg.gather [hbm4b:s7+s22], $0x80, v4, vm0, $0xb8;
	[tilespmem:$0x1E000] =	vst v63  }
0xc0: {  	s31 =	simm.s32 $0x17000  }
0xc1: {  	[tilespmem:s31], [sflag:$0x6] =	stream.indirect_vreg.gather [hbm4b:s2+s22], $0x80, v3, vm0, $0xb8;
	[tilespmem:$0x1E000] =	vst v63  }
0xc2: {  	s23 =	sor.u32 $0x110, s23  }
0xc3: {  	[tilespmem:s1], [sflag:$0x6] =	stream.indirect_vreg.gather [hbm4b:s7+s22], $0x80, v3, vm0, $0xb8;
	[tilespmem:$0x1E000] =	vst v63  }
0xc4: {  	v3 =	vld [tilespmem:s23+$0x0];
	_ =	sdelay $0x4  }
0xc5: {  	v63 =	vshll.u32 v3, $0x2  }
0xc6: {  	v3 =	vand.u32 $0x7, v3;
	v4 =	vand.u32 $0xFFFFFFE0, v63  }
0xc7: {  	v3 =	vor.u32 v3, v4  }
0xc8: {  	v4 =	vperm.xlane v3, v0;
	_ =	sdelay $0x1  }
0xc9: {  	v4 =	vadd.s32 v1, v4;
	_ =	sdelay $0x1  }
0xca: {  	v3 =	vperm.xlane v3, v2;
	_ =	sdelay $0x1  }
0xcb: {  	v3 =	vadd.s32 v1, v3  }
0xcc: {  	[tilespmem:s0], [sflag:$0x6] =	stream.indirect_vreg.gather [hbm4b:s2+s22], $0x80, v4, vm0, $0xb8;
	[tilespmem:$0x1E000] =	vst v63  }
0xcd: {  	_ = 	snop  }
0xce: {  	[tilespmem:s5], [sflag:$0x6] =	stream.indirect_vreg.gather [hbm4b:s7+s22], $0x80, v4, vm0, $0xb8;
	[tilespmem:$0x1E000] =	vst v63  }
0xcf: {  	_ = 	snop  }
0xd0: {  	[tilespmem:s6], [sflag:$0x6] =	stream.indirect_vreg.gather [hbm4b:s2+s22], $0x80, v3, vm0, $0xb8;
	[tilespmem:$0x1E000] =	vst v63  }
0xd1: {  	_ = 	snop  }
0xd2: {  	[tilespmem:s9], [sflag:$0x6] =	stream.indirect_vreg.gather [hbm4b:s7+s22], $0x80, v3, vm0, $0xb8;
	[tilespmem:$0x1E000] =	vst v63  }
0xd3: {  	_ =	swait.ge [sflag:s12], $0x4000  }
0xd4: {  	[sflag:s12] =	ssyncset.done $0x0  }
0xd5: {  	[sflag:s12] =	ssyncadd.s32 $0xFFFFC000  }
0xd6: {  	_ =	swait.ge [sflag:s13], $0x4000  }
0xd7: {  	[sflag:s13] =	ssyncset.done $0x0  }
0xd8: {  	[sflag:s13] =	ssyncadd.s32 $0xFFFFC000  }
0xd9: {  	_ =	swait.ge [sflag:s14], $0x4000  }
0xda: {  	[sflag:s14] =	ssyncset.done $0x0  }
0xdb: {  	s23 =	simm.s32 $0x0;
	[sflag:s14] =	ssyncadd.s32 $0xFFFFC000  }
.LBB2_3:
0xdc: {  	s24 =	sor.u32 s21, s23  }
0xdd: {  	v3 =	vmov s24  }
0xde: {  	s26 =	sshll.u32 s23, $0x9;
	s25 =	sshll.u32 s23, $0x7;
	v4 =	vshll.u32 v3, $0x2  }
0xdf: {  	s24 =	sand.u32 $0x3000, s26;
	s25 =	sand.u32 $0x380, s25;
	v3 =	vand.u32 $0x5F, v3;
	v4 =	vand.u32 $0xE00, v4  }
0xe0: {  	s30 =	sand.u32 $0xC00, s22;
	s25 =	sor.u32 s24, s25;
	v3 =	vor.u32 v3, v4  }
0xe1: {  	s26 =	sand.u32 $0x70, s22;
	s24 =	sor.u32 s30, s25;
	v4 =	vor.u32 $0x80, v3  }
0xe2: {  	s24 =	sor.u32 s26, s24  }
0xe3: {  	v5 =	vor.u32 $0x100, v3;
	v6 =	vld [tilespmem:s24+$0x2000]  }
0xe4: {  	v7 =	vld [tilespmem:s24+$0x6000]  }
0xe5: {  	v3 =	vld.idx.msk [tilespmem:v3+s11+$0x0], $0xffff  }
0xe6: {  	v4 =	vld.idx.msk [tilespmem:v4+s11+$0x0], $0xffff  }
0xe7: {  	s31 =	simm.s32 $0x80;
	v9 =	vld [tilespmem:s24+$0xA000]  }
0xe8: {  	s28 =	simm.s32 $0x10;
	s26 =	sand.u32 $0xC00, s31;
	v5 =	vld.idx.msk [tilespmem:v5+s11+$0x0], $0xffff  }
0xe9: {  	s28 =	sand.u32 $0x70, s28;
	s26 =	sor.u32 s26, s25  }
0xea: {  	s26 =	sor.u32 s28, s26  }
0xeb: {  	v8 =	vmul.f32 v6, v3;
	v6 =	vld [tilespmem:s26+$0x2000];
	v10 =	vmul.f32 v7, v4  }
0xec: {  	v7 =	vld [tilespmem:s26+$0x6000]  }
0xed: {  	s29 =	simm.s32 $0x100;
	s28 =	simm.s32 $0x20;
	v9 =	vmul.f32 v9, v5;
	v8 =	vadd.f32 v10, v8  }
.LBB2_4:
0xee: {  	s30 =	sand.u32 $0x70, s28;
	s31 =	sand.u32 $0xC00, s29;
	v10 =	vld [tilespmem:s26+$0xA000];
	p0 =	sne.s32 s28, $0x1F0  }
.Ltmp0:
0xef: {  	s28 =	sadd.s32 $0x10, s28;
	s31 =	sor.u32 s31, s25;
	v8 =	vadd.f32 v9, v8;
	(pc) =	sbr.rel @p0 .LBB2_4-.Ltmp0, $4  }
0xf0: {  	s30 =	sor.u32 s30, s31  }
0xf1: {  	v9 =	vmul.f32 v6, v3;
	v6 =	vld [tilespmem:s30+$0x2000];
	v11 =	vmul.f32 v7, v4;
	[tilespmem:s24+$0x1A000] =	vst v8;
	s24 =	smov.u32 s26;
	s26 =	smov.u32 s30  }
0xf2: {  	v7 =	vld [tilespmem:s26+$0x6000]  }
0xf3: {  	s29 =	sadd.s32 $0x80, s29;
	v8 =	vadd.f32 v11, v9;
	v9 =	vmul.f32 v10, v5  }
0xf4: {  	v10 =	vld [tilespmem:s26+$0xA000];
	_ =	sdelay $0x2  }
0xf5: {  	s23 =	sadd.s32 $0x1, s23;
	v3 =	vmul.f32 v6, v3;
	v4 =	vmul.f32 v7, v4  }
0xf6: {  	p0 =	sne.s32 s23, $0x20  }
.Ltmp1:
0xf7: {  	v3 =	vadd.f32 v4, v3;
	v62 =	vmul.f32 v10, v5;
	(pc) =	sbr.rel @p0 .LBB2_3-.Ltmp1, $4  }
0xf8: {  	v63 =	vadd.f32 v9, v8  }
0xf9: {  	v3 =	vadd.f32 v62, v3  }
0xfa: {  	[tilespmem:s24+$0x1A000] =	vst v63  }
0xfb: {  	[tilespmem:s26+$0x1A000] =	vst v3  }
0xfc: {  	s21 =	sshll.u32 s19, $0xF  }
0xfd: {  	s21 =	sadd.s32 s8, s21  }
0xfe: {  	p0 =	seq.s32 s19, $0xF;
	s21 =	sshrl.u32 s21, $0x3  }
.Ltmp2:
0xff: {  	s21 =	sadd.s32 s4, s21;
	(pc) =	sbr.rel @p0 .LBB2_8-.Ltmp2, $4  }
0x100: {  	[hbm4b:s21+s3] =	stream.linear.scatter [tilespmem:s15], [sflag:$0x7], $0x4000, $0x38;
	[tilespmem:$0x1E000] =	vst v63  }
0x101: {  	_ =	swait.ge [sflag:s10], $0x4000  }
0x102: {  	[sflag:s10] =	ssyncset.done $0x0  }
0x103: {  	[sflag:s10] =	ssyncadd.s32 $0xFFFFC000  }
0x104: {  	s21 =	sshll.u32 s19, $0x1  }
0x105: {  	s21 =	sadd.s32 $0x2, s21  }
0x106: {  	s22 =	sshll.u32 s21, $0x5;
	s21 =	sshll.u32 s21, $0x7  }
0x107: {  	s22 =	sand.u32 $0x40, s22;
	s23 =	sand.u32 $0x1E00, s21  }
0x108: {  	s23 =	sor.u32 s22, s23  }
0x109: {  	v3 =	vld [tilespmem:s23+$0x0];
	_ =	sdelay $0x4  }
0x10a: {  	v4 =	vshll.u32 v3, $0x2  }
0x10b: {  	v3 =	vand.u32 $0x7, v3;
	v4 =	vand.u32 $0xFFFFFFE0, v4  }
0x10c: {  	v3 =	vor.u32 v3, v4  }
0x10d: {  	v4 =	vperm.xlane v3, v0;
	_ =	sdelay $0x1  }
0x10e: {  	v4 =	vadd.s32 v1, v4;
	_ =	sdelay $0x1  }
0x10f: {  	v3 =	vperm.xlane v3, v2;
	_ =	sdelay $0x1  }
0x110: {  	s24 =	simm.s32 $0x2000;
	v3 =	vadd.s32 v1, v3  }
0x111: {  	[tilespmem:s24], [sflag:$0x1] =	stream.indirect_vreg.gather [hbm4b:s2+s3], $0x80, v4, vm0, $0xb8;
	[tilespmem:$0x1E000] =	vst v63  }
0x112: {  	s29 =	simm.s32 $0x2800  }
0x113: {  	[tilespmem:s29], [sflag:$0x1] =	stream.indirect_vreg.gather [hbm4b:s7+s3], $0x80, v4, vm0, $0xb8;
	[tilespmem:$0x1E000] =	vst v63  }
0x114: {  	s30 =	simm.s32 $0x3000  }
0x115: {  	[tilespmem:s30], [sflag:$0x1] =	stream.indirect_vreg.gather [hbm4b:s2+s3], $0x80, v3, vm0, $0xb8;
	[tilespmem:$0x1E000] =	vst v63  }
0x116: {  	s31 =	simm.s32 $0x3800  }
0x117: {  	[tilespmem:s31], [sflag:$0x1] =	stream.indirect_vreg.gather [hbm4b:s7+s3], $0x80, v3, vm0, $0xb8;
	[tilespmem:$0x1E000] =	vst v63  }
0x118: {  	v3 =	vld [tilespmem:s23+$0x10];
	_ =	sdelay $0x4  }
0x119: {  	v59 =	vshll.u32 v3, $0x2  }
0x11a: {  	v3 =	vand.u32 $0x7, v3;
	v4 =	vand.u32 $0xFFFFFFE0, v59  }
0x11b: {  	v3 =	vor.u32 v3, v4  }
0x11c: {  	v4 =	vperm.xlane v3, v0;
	_ =	sdelay $0x1  }
0x11d: {  	v4 =	vadd.s32 v1, v4;
	_ =	sdelay $0x1  }
0x11e: {  	v3 =	vperm.xlane v3, v2;
	_ =	sdelay $0x1  }
0x11f: {  	s25 =	simm.s32 $0x4000;
	v3 =	vadd.s32 v1, v3  }
0x120: {  	[tilespmem:s25], [sflag:$0x1] =	stream.indirect_vreg.gather [hbm4b:s2+s3], $0x80, v4, vm0, $0xb8;
	[tilespmem:$0x1E000] =	vst v63  }
0x121: {  	s26 =	simm.s32 $0x4800  }
0x122: {  	[tilespmem:s26], [sflag:$0x1] =	stream.indirect_vreg.gather [hbm4b:s7+s3], $0x80, v4, vm0, $0xb8;
	[tilespmem:$0x1E000] =	vst v63  }
0x123: {  	s28 =	simm.s32 $0x5000  }
0x124: {  	[tilespmem:s28], [sflag:$0x1] =	stream.indirect_vreg.gather [hbm4b:s2+s3], $0x80, v3, vm0, $0xb8;
	[tilespmem:$0x1E000] =	vst v63  }
0x125: {  	s29 =	simm.s32 $0x5800  }
0x126: {  	[tilespmem:s29], [sflag:$0x1] =	stream.indirect_vreg.gather [hbm4b:s7+s3], $0x80, v3, vm0, $0xb8;
	[tilespmem:$0x1E000] =	vst v63  }
0x127: {  	v3 =	vld [tilespmem:s23+$0x80];
	_ =	sdelay $0x4  }
0x128: {  	v60 =	vshll.u32 v3, $0x2  }
0x129: {  	v3 =	vand.u32 $0x7, v3;
	v4 =	vand.u32 $0xFFFFFFE0, v60  }
0x12a: {  	v3 =	vor.u32 v3, v4  }
0x12b: {  	v4 =	vperm.xlane v3, v0;
	_ =	sdelay $0x1  }
0x12c: {  	v4 =	vadd.s32 v1, v4;
	_ =	sdelay $0x1  }
0x12d: {  	v3 =	vperm.xlane v3, v2;
	_ =	sdelay $0x1  }
0x12e: {  	s30 =	simm.s32 $0x6000;
	v3 =	vadd.s32 v1, v3  }
0x12f: {  	[tilespmem:s30], [sflag:$0x2] =	stream.indirect_vreg.gather [hbm4b:s2+s3], $0x80, v4, vm0, $0xb8;
	[tilespmem:$0x1E000] =	vst v63  }
0x130: {  	s31 =	simm.s32 $0x6800  }
0x131: {  	[tilespmem:s31], [sflag:$0x2] =	stream.indirect_vreg.gather [hbm4b:s7+s3], $0x80, v4, vm0, $0xb8;
	[tilespmem:$0x1E000] =	vst v63  }
0x132: {  	s25 =	simm.s32 $0x7000  }
0x133: {  	[tilespmem:s25], [sflag:$0x2] =	stream.indirect_vreg.gather [hbm4b:s2+s3], $0x80, v3, vm0, $0xb8;
	[tilespmem:$0x1E000] =	vst v63  }
0x134: {  	s26 =	simm.s32 $0x7800  }
0x135: {  	[tilespmem:s26], [sflag:$0x2] =	stream.indirect_vreg.gather [hbm4b:s7+s3], $0x80, v3, vm0, $0xb8;
	[tilespmem:$0x1E000] =	vst v63  }
0x136: {  	v3 =	vld [tilespmem:s23+$0x90];
	_ =	sdelay $0x4  }
0x137: {  	v61 =	vshll.u32 v3, $0x2  }
0x138: {  	v3 =	vand.u32 $0x7, v3;
	v4 =	vand.u32 $0xFFFFFFE0, v61  }
0x139: {  	v3 =	vor.u32 v3, v4  }
0x13a: {  	v4 =	vperm.xlane v3, v0;
	_ =	sdelay $0x1  }
0x13b: {  	v4 =	vadd.s32 v1, v4;
	_ =	sdelay $0x1  }
0x13c: {  	v3 =	vperm.xlane v3, v2;
	_ =	sdelay $0x1  }
0x13d: {  	s28 =	simm.s32 $0x8000;
	v3 =	vadd.s32 v1, v3  }
0x13e: {  	[tilespmem:s28], [sflag:$0x2] =	stream.indirect_vreg.gather [hbm4b:s2+s3], $0x80, v4, vm0, $0xb8;
	[tilespmem:$0x1E000] =	vst v63  }
0x13f: {  	s29 =	simm.s32 $0x8800  }
0x140: {  	[tilespmem:s29], [sflag:$0x2] =	stream.indirect_vreg.gather [hbm4b:s7+s3], $0x80, v4, vm0, $0xb8;
	[tilespmem:$0x1E000] =	vst v63  }
0x141: {  	s21 =	sor.u32 s22, s21;
	s30 =	simm.s32 $0x9000  }
0x142: {  	[tilespmem:s30], [sflag:$0x2] =	stream.indirect_vreg.gather [hbm4b:s2+s3], $0x80, v3, vm0, $0xb8;
	[tilespmem:$0x1E000] =	vst v63  }
0x143: {  	s22 =	sor.u32 $0x100, s21;
	s31 =	simm.s32 $0x9800  }
0x144: {  	[tilespmem:s31], [sflag:$0x2] =	stream.indirect_vreg.gather [hbm4b:s7+s3], $0x80, v3, vm0, $0xb8;
	[tilespmem:$0x1E000] =	vst v63  }
0x145: {  	v3 =	vld [tilespmem:s22+$0x0];
	_ =	sdelay $0x4  }
0x146: {  	v62 =	vshll.u32 v3, $0x2  }
0x147: {  	v3 =	vand.u32 $0x7, v3;
	v4 =	vand.u32 $0xFFFFFFE0, v62  }
0x148: {  	v3 =	vor.u32 v3, v4  }
0x149: {  	v4 =	vperm.xlane v3, v0;
	_ =	sdelay $0x1  }
0x14a: {  	v4 =	vadd.s32 v1, v4;
	_ =	sdelay $0x1  }
0x14b: {  	v3 =	vperm.xlane v3, v2;
	_ =	sdelay $0x1  }
0x14c: {  	s23 =	simm.s32 $0xA000;
	v3 =	vadd.s32 v1, v3  }
0x14d: {  	[tilespmem:s23], [sflag:$0x3] =	stream.indirect_vreg.gather [hbm4b:s2+s3], $0x80, v4, vm0, $0xb8;
	[tilespmem:$0x1E000] =	vst v63  }
0x14e: {  	s24 =	simm.s32 $0xA800  }
0x14f: {  	[tilespmem:s24], [sflag:$0x3] =	stream.indirect_vreg.gather [hbm4b:s7+s3], $0x80, v4, vm0, $0xb8;
	[tilespmem:$0x1E000] =	vst v63  }
0x150: {  	s25 =	simm.s32 $0xB000  }
0x151: {  	[tilespmem:s25], [sflag:$0x3] =	stream.indirect_vreg.gather [hbm4b:s2+s3], $0x80, v3, vm0, $0xb8;
	[tilespmem:$0x1E000] =	vst v63  }
0x152: {  	s21 =	sor.u32 $0x110, s21;
	s26 =	simm.s32 $0xB800  }
0x153: {  	[tilespmem:s26], [sflag:$0x3] =	stream.indirect_vreg.gather [hbm4b:s7+s3], $0x80, v3, vm0, $0xb8;
	[tilespmem:$0x1E000] =	vst v63  }
0x154: {  	v3 =	vld [tilespmem:s21+$0x0];
	_ =	sdelay $0x4  }
0x155: {  	v63 =	vshll.u32 v3, $0x2  }
0x156: {  	v3 =	vand.u32 $0x7, v3;
	v4 =	vand.u32 $0xFFFFFFE0, v63  }
0x157: {  	v3 =	vor.u32 v3, v4  }
0x158: {  	v4 =	vperm.xlane v3, v0;
	_ =	sdelay $0x1  }
0x159: {  	v4 =	vadd.s32 v1, v4;
	_ =	sdelay $0x1  }
0x15a: {  	v3 =	vperm.xlane v3, v2;
	_ =	sdelay $0x1  }
0x15b: {  	s28 =	simm.s32 $0xC000;
	v3 =	vadd.s32 v1, v3  }
0x15c: {  	[tilespmem:s28], [sflag:$0x3] =	stream.indirect_vreg.gather [hbm4b:s2+s3], $0x80, v4, vm0, $0xb8;
	[tilespmem:$0x1E000] =	vst v63  }
0x15d: {  	s29 =	simm.s32 $0xC800  }
0x15e: {  	[tilespmem:s29], [sflag:$0x3] =	stream.indirect_vreg.gather [hbm4b:s7+s3], $0x80, v4, vm0, $0xb8;
	[tilespmem:$0x1E000] =	vst v63  }
0x15f: {  	s30 =	simm.s32 $0xD000  }
0x160: {  	[tilespmem:s30], [sflag:$0x3] =	stream.indirect_vreg.gather [hbm4b:s2+s3], $0x80, v3, vm0, $0xb8;
	[tilespmem:$0x1E000] =	vst v63  }
0x161: {  	s31 =	simm.s32 $0xD800  }
0x162: {  	[tilespmem:s31], [sflag:$0x3] =	stream.indirect_vreg.gather [hbm4b:s7+s3], $0x80, v3, vm0, $0xb8;
	[tilespmem:$0x1E000] =	vst v63  }
.LBB2_8:
0x163: {  	_ =	swait.ge [sflag:s16], $0x4000  }
0x164: {  	[sflag:s16] =	ssyncset.done $0x0  }
0x165: {  	[sflag:s16] =	ssyncadd.s32 $0xFFFFC000  }
0x166: {  	_ =	swait.ge [sflag:s17], $0x4000  }
0x167: {  	[sflag:s17] =	ssyncset.done $0x0  }
0x168: {  	[sflag:s17] =	ssyncadd.s32 $0xFFFFC000  }
0x169: {  	_ =	swait.ge [sflag:s18], $0x4000  }
0x16a: {  	[sflag:s18] =	ssyncset.done $0x0  }
0x16b: {  	s21 =	simm.s32 $0x0;
	s22 =	simm.s32 $0x0;
	[sflag:s18] =	ssyncadd.s32 $0xFFFFC000  }
.LBB2_9:
0x16c: {  	s23 =	sor.u32 s20, s22  }
0x16d: {  	v3 =	vmov s23  }
0x16e: {  	s29 =	sshll.u32 s22, $0x9;
	s24 =	sshll.u32 s22, $0x7;
	v4 =	vshll.u32 v3, $0x2  }
0x16f: {  	s23 =	sand.u32 $0x3000, s29;
	s24 =	sand.u32 $0x380, s24;
	v3 =	vand.u32 $0x7F, v3;
	v4 =	vand.u32 $0x7FFFFE00, v4  }
0x170: {  	s30 =	sand.u32 $0xC00, s21;
	s24 =	sor.u32 s23, s24;
	v3 =	vor.u32 v3, v4  }
0x171: {  	s25 =	sand.u32 $0x70, s21;
	s23 =	sor.u32 s30, s24;
	v4 =	vor.u32 $0x80, v3  }
0x172: {  	s23 =	sor.u32 s25, s23  }
0x173: {  	v5 =	vor.u32 $0x100, v3;
	v6 =	vld [tilespmem:s23+$0xE000]  }
0x174: {  	v7 =	vld [tilespmem:s23+$0x12000]  }
0x175: {  	v3 =	vld.idx.msk [tilespmem:v3+s11+$0x0], $0xffff  }
0x176: {  	v4 =	vld.idx.msk [tilespmem:v4+s11+$0x0], $0xffff  }
0x177: {  	s31 =	simm.s32 $0x80;
	v9 =	vld [tilespmem:s23+$0x16000]  }
0x178: {  	s26 =	simm.s32 $0x10;
	s25 =	sand.u32 $0xC00, s31;
	v5 =	vld.idx.msk [tilespmem:v5+s11+$0x0], $0xffff  }
0x179: {  	s26 =	sand.u32 $0x70, s26;
	s25 =	sor.u32 s25, s24  }
0x17a: {  	s25 =	sor.u32 s26, s25  }
0x17b: {  	v8 =	vmul.f32 v6, v3;
	v6 =	vld [tilespmem:s25+$0xE000];
	v10 =	vmul.f32 v7, v4  }
0x17c: {  	v7 =	vld [tilespmem:s25+$0x12000]  }
0x17d: {  	s28 =	simm.s32 $0x100;
	s26 =	simm.s32 $0x20;
	v9 =	vmul.f32 v9, v5;
	v8 =	vadd.f32 v10, v8  }
.LBB2_10:
0x17e: {  	s29 =	sand.u32 $0x70, s26;
	s30 =	sand.u32 $0xC00, s28;
	v10 =	vld [tilespmem:s25+$0x16000];
	p0 =	sne.s32 s26, $0x1F0  }
.Ltmp3:
0x17f: {  	s26 =	sadd.s32 $0x10, s26;
	s30 =	sor.u32 s30, s24;
	v8 =	vadd.f32 v9, v8;
	(pc) =	sbr.rel @p0 .LBB2_10-.Ltmp3, $4  }
0x180: {  	s29 =	sor.u32 s29, s30  }
0x181: {  	v9 =	vmul.f32 v6, v3;
	v6 =	vld [tilespmem:s29+$0xE000];
	v11 =	vmul.f32 v7, v4;
	[tilespmem:s23+$0x1A000] =	vst v8;
	s23 =	smov.u32 s25;
	s25 =	smov.u32 s29  }
0x182: {  	v7 =	vld [tilespmem:s25+$0x12000]  }
0x183: {  	s28 =	sadd.s32 $0x80, s28;
	v8 =	vadd.f32 v11, v9;
	v9 =	vmul.f32 v10, v5  }
0x184: {  	v10 =	vld [tilespmem:s25+$0x16000];
	_ =	sdelay $0x2  }
0x185: {  	s22 =	sadd.s32 $0x1, s22;
	v3 =	vmul.f32 v6, v3;
	v4 =	vmul.f32 v7, v4  }
0x186: {  	p0 =	sne.s32 s22, $0x20  }
.Ltmp4:
0x187: {  	v3 =	vadd.f32 v4, v3;
	v62 =	vmul.f32 v10, v5;
	(pc) =	sbr.rel @p0 .LBB2_9-.Ltmp4, $4  }
0x188: {  	v63 =	vadd.f32 v9, v8  }
0x189: {  	v3 =	vadd.f32 v62, v3  }
0x18a: {  	[tilespmem:s23+$0x1A000] =	vst v63  }
0x18b: {  	[tilespmem:s25+$0x1A000] =	vst v3  }
0x18c: {  	s20 =	sshll.u32 s20, $0x9  }
0x18d: {  	s19 =	sadd.s32 $0x1, s19;
	s20 =	sadd.s32 s8, s20  }
0x18e: {  	p0 =	sne.s32 s19, $0x10;
	s20 =	sshrl.u32 s20, $0x3  }
.Ltmp5:
0x18f: {  	s20 =	sadd.s32 s4, s20;
	(pc) =	sbr.rel @p0 .LBB2_2-.Ltmp5, $4  }
0x190: {  	[hbm4b:s20+s3] =	stream.linear.scatter [tilespmem:s15], [sflag:$0x7], $0x4000, $0x38;
	[tilespmem:$0x1E000] =	vst v63  }
0x191: {  	_ =	swait.ge [sflag:s10], $0x4000  }
0x192: {  	[sflag:s10] =	ssyncset.done $0x0  }
0x193: {  	[sflag:s10] =	ssyncadd.s32 $0xFFFFC000  }
0x194: {  	s20 =	rddreg [dreg:$0x6]  }
0x195: {  	s19 =	rddreg [dreg:$0x5];
	s20 =	sadd.s32 $0x1, s20  }
0x196: {  	p0 =	sne.s32 s20, s19  }
.Ltmp6:
0x197: {  	_ = 	snop;
	(pc) =	sbr.rel @p0 .LBB2_1-.Ltmp6, $1  }
0x198: {  	_ =	sdelay $0x3  }
0x199: {  	_ =	sfence.sel $0x180000  }
0x19a: {  	[bflag:$0x0] =	sbarrier.arrive $0xFFFF  }
0x19b: {  	_ =	strace $0x90000047  }
0x19c: {  	s0 =	stileid.u32;
	[bflag:$0x2] =	sbarrier.arrive $0xFFFF  }
0x19d: {  	p0 =	sne.s32 s0, $0x0;
	s0 =	rddreg [dreg:$0x2]  }
0x19e: {  	s0 =	sadd.s32 @!p0 $0x100000, s0  }
0x19f: {  	[sflag:s0] =	ssyncadd.tile.s32 @!p0 $0x1;
	_ =	shalt  }
.Lfunc_end2:
_tile_overlayer_lowered:
.L_overlay_start_2:
0x1a0: {  	(tag) =	ssettag $0x2  }
0x1a1: {  	s0 =	rddreg [dreg:$0x0];
	s2 =	stileid.u32  }
0x1a2: {  	s1 =	rddreg [dreg:$0x1];
	p0 =	sne.s32 s2, $0x0  }
0x1a3: {  	s3 =	rddreg [dreg:$0x2];
	[bflag:$0x3] =	sbarrier.arrive $0xFFFF;
	s2 =	simm.s32 @!p0 $0x1C07  }
0x1a4: {  	[timem:s3], [sflag:s2] =	dma.local @!p0 [hbm:s0], s1  }
0x1a5: {  	s0 =	simm.s32 @!p0 $0x7  }
0x1a6: {  	_ =	swait.ge @!p0 [sflag:s0], s1  }
0x1a7: {  	s1 =	ssub.s32 @!p0 $0x0, s1;
	[sflag:s0] =	ssyncset.done @!p0 $0x0  }
0x1a8: {  	[sflag:s0] =	ssyncadd.s32 @!p0 s1  }
0x1a9: {  	[bflag:$0x3] =	sbarrier.arrive $0xFFFF  }
0x1aa: {  	_ =	shalt  }

</sc_bundles>
